<compile_context>
chip_gen: v7x
topology: tpu7x:2x2x1
jax: 0.10.2.dev20260603
libtpu: 0.0.44.dev20260713+nightly
codegen_flags: <defaults>
</compile_context>

<pallas_src>
import functools

import jax
import jax.numpy as jnp
from jax import lax
from jax.experimental import pallas as pl
from jax.experimental.pallas import tpu as pltpu
from jax.experimental.pallas import tpu_sc as plsc

N_NODES = 10000
N_FEATS = 128

NUM_CORES = 2
NUM_SUBCORES = 16
NW = NUM_CORES * NUM_SUBCORES

CHUNK = 128
ROWS_PER_TILE = 640
ACC_ROWS = NUM_SUBCORES * ROWS_PER_TILE


def _sc_segment_sum(feature, src_idx, dst_idx, *, chunks_per_tile):
    K = chunks_per_tile
    HK = K // 2
    mesh = plsc.VectorSubcoreMesh(
        core_axis_name="c", subcore_axis_name="s",
        num_cores=NUM_CORES, num_subcores=NUM_SUBCORES)

    @functools.partial(
        pl.kernel,
        out_type=jax.ShapeDtypeStruct((NUM_CORES, ACC_ROWS, N_FEATS), jnp.float32),
        mesh=mesh,
        scratch_types=[
            pltpu.VMEM((HK, CHUNK), jnp.int32),
            pltpu.VMEM((HK, CHUNK), jnp.int32),
            pltpu.VMEM((CHUNK, N_FEATS), jnp.float32),
            pltpu.VMEM((CHUNK, N_FEATS), jnp.float32),
            pltpu.VMEM_SHARED((ACC_ROWS, N_FEATS), jnp.float32),
            pltpu.SemaphoreType.DMA,
            pltpu.SemaphoreType.DMA,
        ],
    )
    def k(feature_hbm, src_hbm, dst_hbm, out_hbm, src_v, dst_v,
          rows0_v, rows1_v, acc_sh, sem0, sem1):
        c = lax.axis_index("c")
        s = lax.axis_index("s")
        gw = c * NUM_SUBCORES + s

        pltpu.async_copy(src_hbm.at[gw, pl.ds(0, HK)], src_v, sem0)
        pltpu.async_copy(dst_hbm.at[gw, pl.ds(0, HK)], dst_v, sem1)

        def zrow(i, _):
            for cc in range(N_FEATS // 16):
                rows0_v[i, pl.ds(cc * 16, 16)] = jnp.zeros((16,), jnp.float32)
            return 0
        lax.fori_loop(0, CHUNK, zrow, 0)
        for t in range(ROWS_PER_TILE // CHUNK):
            pltpu.sync_copy(
                rows0_v, acc_sh.at[pl.ds(s * ROWS_PER_TILE + t * CHUNK, CHUNK)])
        pltpu.make_async_copy(src_hbm.at[gw, pl.ds(0, HK)], src_v, sem0).wait()
        pltpu.make_async_copy(dst_hbm.at[gw, pl.ds(0, HK)], dst_v, sem1).wait()
        plsc.subcore_barrier()

        for h in range(2):
            if h == 1:
                pltpu.sync_copy(src_hbm.at[gw, pl.ds(HK, HK)], src_v)
                pltpu.sync_copy(dst_hbm.at[gw, pl.ds(HK, HK)], dst_v)
            pltpu.async_copy(feature_hbm.at[src_v.at[0]], rows0_v, sem0)
            pltpu.async_copy(feature_hbm.at[src_v.at[1]], rows1_v, sem1)

            def body(j2, _):
                j0 = 2 * j2
                for (jc, buf, sem) in ((j0, rows0_v, sem0),
                                       (j0 + 1, rows1_v, sem1)):
                    pltpu.make_async_copy(
                        feature_hbm.at[src_v.at[jc]], buf, sem).wait()
                    pltpu.sync_copy(buf, acc_sh.at[dst_v.at[jc]], add=True)

                    @pl.when(jc + 2 < HK)
                    def _():
                        pltpu.async_copy(
                            feature_hbm.at[src_v.at[jc + 2]], buf, sem)
                return 0
            lax.fori_loop(0, HK // 2, body, 0)
        plsc.subcore_barrier()

        pltpu.sync_copy(
            acc_sh.at[pl.ds(s * ROWS_PER_TILE, ROWS_PER_TILE)],
            out_hbm.at[c, pl.ds(s * ROWS_PER_TILE, ROWS_PER_TILE)])

    return k(feature, src_idx, dst_idx)


def _mm_kernel(p_ref, wt_ref, b_ref, o_ref):
    h = p_ref[0] + p_ref[1]
    o_ref[...] = (
        jnp.dot(h, wt_ref[...], preferred_element_type=jnp.float32) + b_ref[...]
    )


def _tc_linear(partials, W, b):
    BM = 2000
    grid = (N_NODES // BM,)
    wt = W.T
    b2 = b.reshape(1, N_FEATS)
    return pl.pallas_call(
        _mm_kernel,
        grid=grid,
        in_specs=[
            pl.BlockSpec((NUM_CORES, BM, N_FEATS), lambda i: (0, i, 0)),
            pl.BlockSpec((N_FEATS, N_FEATS), lambda i: (0, 0)),
            pl.BlockSpec((1, N_FEATS), lambda i: (0, 0)),
        ],
        out_specs=pl.BlockSpec((BM, N_FEATS), lambda i: (i, 0)),
        out_shape=jax.ShapeDtypeStruct((N_NODES, N_FEATS), jnp.float32),
    )(partials, wt, b2)


def kernel(feature, edge_index, W, b):
    E = edge_index.shape[1]
    per_stream = NW * CHUNK
    K = -(-E // per_stream)
    K = -(-K // 4) * 4
    E_pad = K * per_stream

    src = edge_index[0]
    dst = edge_index[1]
    n_pad = E_pad - E
    pad_src = jnp.arange(n_pad, dtype=jnp.int32) % N_NODES
    src = jnp.concatenate([src, pad_src])
    pad_dst = N_NODES + (jnp.arange(n_pad, dtype=jnp.int32) % (ACC_ROWS - N_NODES))
    dst = jnp.concatenate([dst, pad_dst])
    src_idx = src.reshape(NW, K, CHUNK)
    dst_idx = dst.reshape(NW, K, CHUNK)

    partials = _sc_segment_sum(feature, src_idx, dst_idx, chunks_per_tile=K)
    return _tc_linear(partials, W, b)

# --- scband reference (transcript-rebuilt; emitter-appended) ---
"""Pipeline reference for scband-gcnlayer-23570780521023 (READ-ONLY COPY).

The authoritative reference and input builder live on the scoring server;
editing this copy changes nothing except your own understanding.
"""

import jax, jax.numpy as jnp
import numpy as np

N_NODES = 10000
N_EDGES = 320000
IN_FEATS = 128
OUT_FEATS = 128


def setup_inputs(seed: int = 0) -> dict:
    key = jax.random.key(seed)
    k1, k2, k3, k4 = jax.random.split(key, 4)
    feature = jax.random.normal(k1, (N_NODES, IN_FEATS), dtype=jnp.float32)
    edge_index = jax.random.randint(k2, (2, N_EDGES), 0, N_NODES, dtype=jnp.int32)
    # nn.Linear(in_feats, out_feats): weight [out, in], bias [out]
    bound = 1.0 / np.sqrt(IN_FEATS)
    W = jax.random.uniform(k3, (OUT_FEATS, IN_FEATS), dtype=jnp.float32, minval=-bound, maxval=bound)
    b = jax.random.uniform(k4, (OUT_FEATS,), dtype=jnp.float32, minval=-bound, maxval=bound)
    return {"feature": feature, "edge_index": edge_index, "W": W, "b": b}


def reference(feature, edge_index, W, b):
    # GCN message passing: copy_u (gather src features) + sum reduce per dst node
    src = edge_index[0]
    dst = edge_index[1]
    msgs = jnp.take(feature, src, axis=0)          # gather: [E, in_feats]
    h = jax.ops.segment_sum(msgs, dst, num_segments=N_NODES)  # scatter-add: [N, in_feats]
    # linear layer
    out = h @ W.T + b                                # [N, out_feats]
    return out

if __name__ == "__main__":
    import jax
    _d = setup_inputs()
    print(jax.jit(kernel)(*tuple(_d.values())))

</pallas_src>

<mosaic_0001>
#map = affine_map<(d0, d1) -> (0, 0)>
#map1 = affine_map<(d0, d1) -> (0, 0, 0)>
module attributes {stable_mosaic.version = 14 : i64} {
  func.func @k(%arg0: i32, %arg1: i32, %arg2: memref<10000x128xf32, #tpu.memory_space<hbm>>, %arg3: memref<32x80x128xi32, #tpu.memory_space<hbm>>, %arg4: memref<32x80x128xi32, #tpu.memory_space<hbm>>, %arg5: memref<2x10240x128xf32, #tpu.memory_space<hbm>>, %arg6: memref<40x128xi32, #tpu.memory_space<vmem>>, %arg7: memref<40x128xi32, #tpu.memory_space<vmem>>, %arg8: memref<128x128xf32, #tpu.memory_space<vmem>>, %arg9: memref<128x128xf32, #tpu.memory_space<vmem>>, %arg10: memref<10240x128xf32, #tpu.memory_space<vmem_shared>>, %arg11: memref<!tpu.dma_semaphore, #tpu.memory_space<semaphore_mem>>, %arg12: memref<!tpu.dma_semaphore, #tpu.memory_space<semaphore_mem>>) attributes {dimension_semantics = [#tpu.dimension_semantics<core_parallel>, #tpu.dimension_semantics<subcore_parallel>], iteration_bounds = array<i64: 2, 16>, scalar_prefetch = 0 : i64, scratch_operands = 7 : i64, tpu.core_type = #tpu.core_type<sc_vector_subcore>, window_params = [{transform_indices = #map}, {transform_indices = #map1}, {transform_indices = #map1}, {transform_indices = #map1}]} {
    %mul3A = arith.constant 16 : i32
    %mul3A_0 = arith.muli %arg0, %mul3A : i32
    %add3A = arith.addi %mul3A_0, %arg1 : i32
    %dma_start3A = arith.constant 0 : i32
    %dma_start3A_1 = arith.constant 0 : i32
    %dma_start3A_2 = tpu.memref_slice %arg3[%add3A, %dma_start3A, %dma_start3A_1] : memref<32x80x128xi32, #tpu.memory_space<hbm>> -> memref<1x40x128xi32, #tpu.memory_space<hbm>>
    %dma_start3A_3 = tpu.memref_squeeze %dma_start3A_2 : memref<1x40x128xi32, #tpu.memory_space<hbm>> -> memref<40x128xi32, #tpu.memory_space<hbm>>
    %dma_start3A_4 = arith.constant 0 : i32
    %dma_start3A_5 = arith.constant 0 : i32
    %dma_start3A_6 = tpu.memref_slice %arg3[%add3A, %dma_start3A_4, %dma_start3A_5] : memref<32x80x128xi32, #tpu.memory_space<hbm>> -> memref<1x40x128xi32, #tpu.memory_space<hbm>>
    %dma_start3A_7 = tpu.memref_squeeze %dma_start3A_6 : memref<1x40x128xi32, #tpu.memory_space<hbm>> -> memref<40x128xi32, #tpu.memory_space<hbm>>
    tpu.enqueue_dma source(%dma_start3A_7 : memref<40x128xi32, #tpu.memory_space<hbm>>) target(%arg6 : memref<40x128xi32, #tpu.memory_space<vmem>>) target_semaphore(%arg11 : memref<!tpu.dma_semaphore, #tpu.memory_space<semaphore_mem>>)
    %dma_start3A_8 = arith.constant 0 : i32
    %dma_start3A_9 = arith.constant 0 : i32
    %dma_start3A_10 = tpu.memref_slice %arg4[%add3A, %dma_start3A_8, %dma_start3A_9] : memref<32x80x128xi32, #tpu.memory_space<hbm>> -> memref<1x40x128xi32, #tpu.memory_space<hbm>>
    %dma_start3A_11 = tpu.memref_squeeze %dma_start3A_10 : memref<1x40x128xi32, #tpu.memory_space<hbm>> -> memref<40x128xi32, #tpu.memory_space<hbm>>
    %dma_start3A_12 = arith.constant 0 : i32
    %dma_start3A_13 = arith.constant 0 : i32
    %dma_start3A_14 = tpu.memref_slice %arg4[%add3A, %dma_start3A_12, %dma_start3A_13] : memref<32x80x128xi32, #tpu.memory_space<hbm>> -> memref<1x40x128xi32, #tpu.memory_space<hbm>>
    %dma_start3A_15 = tpu.memref_squeeze %dma_start3A_14 : memref<1x40x128xi32, #tpu.memory_space<hbm>> -> memref<40x128xi32, #tpu.memory_space<hbm>>
    tpu.enqueue_dma source(%dma_start3A_15 : memref<40x128xi32, #tpu.memory_space<hbm>>) target(%arg7 : memref<40x128xi32, #tpu.memory_space<vmem>>) target_semaphore(%arg12 : memref<!tpu.dma_semaphore, #tpu.memory_space<semaphore_mem>>)
    %scan3A = arith.constant 0 : i32
    %scan3A_16 = arith.constant 0 : i32
    %scan3A_17 = arith.constant 128 : i32
    %scan3A_18 = arith.addi %scan3A_16, %scan3A_17 : i32
    %scan3A_19 = arith.constant 1 : i32
    %scan3A_20 = scf.for %scan3A_104 = %scan3A_16 to %scan3A_18 step %scan3A_19 iter_args(%scan3A_105 = %scan3A) -> (i32)  : i32 {
      %broadcast_in_dim3A = arith.constant 0.000000e+00 : f32
      %broadcast_in_dim3A_106 = vector.broadcast %broadcast_in_dim3A : f32 to vector<16xf32>
      %swap3A = arith.index_cast %scan3A_104 : i32 to index
      %swap3A_107 = arith.constant 0 : index
      %swap3A_108 = tpu.vector_load %arg8[%swap3A, %swap3A_107] {strides = array<i32>} : memref<128x128xf32, #tpu.memory_space<vmem>>, vector<1x16xf32>,
      %swap3A_109 = vector.shape_cast %swap3A_108 : vector<1x16xf32> to vector<16xf32>
      %swap3A_110 = vector.shape_cast %broadcast_in_dim3A_106 : vector<16xf32> to vector<1x16xf32>
      tpu.vector_store %arg8[%swap3A, %swap3A_107], %swap3A_110 {strides = array<i32>} : memref<128x128xf32, #tpu.memory_space<vmem>>, vector<1x16xf32>,
      %broadcast_in_dim3A_111 = arith.constant 0.000000e+00 : f32
      %broadcast_in_dim3A_112 = vector.broadcast %broadcast_in_dim3A_111 : f32 to vector<16xf32>
      %swap3A_113 = arith.index_cast %scan3A_104 : i32 to index
      %swap3A_114 = arith.constant 16 : index
      %swap3A_115 = tpu.vector_load %arg8[%swap3A_113, %swap3A_114] {strides = array<i32>} : memref<128x128xf32, #tpu.memory_space<vmem>>, vector<1x16xf32>,
      %swap3A_116 = vector.shape_cast %swap3A_115 : vector<1x16xf32> to vector<16xf32>
      %swap3A_117 = vector.shape_cast %broadcast_in_dim3A_112 : vector<16xf32> to vector<1x16xf32>
      tpu.vector_store %arg8[%swap3A_113, %swap3A_114], %swap3A_117 {strides = array<i32>} : memref<128x128xf32, #tpu.memory_space<vmem>>, vector<1x16xf32>,
      %broadcast_in_dim3A_118 = arith.constant 0.000000e+00 : f32
      %broadcast_in_dim3A_119 = vector.broadcast %broadcast_in_dim3A_118 : f32 to vector<16xf32>
      %swap3A_120 = arith.index_cast %scan3A_104 : i32 to index
      %swap3A_121 = arith.constant 32 : index
      %swap3A_122 = tpu.vector_load %arg8[%swap3A_120, %swap3A_121] {strides = array<i32>} : memref<128x128xf32, #tpu.memory_space<vmem>>, vector<1x16xf32>,
      %swap3A_123 = vector.shape_cast %swap3A_122 : vector<1x16xf32> to vector<16xf32>
      %swap3A_124 = vector.shape_cast %broadcast_in_dim3A_119 : vector<16xf32> to vector<1x16xf32>
      tpu.vector_store %arg8[%swap3A_120, %swap3A_121], %swap3A_124 {strides = array<i32>} : memref<128x128xf32, #tpu.memory_space<vmem>>, vector<1x16xf32>,
      %broadcast_in_dim3A_125 = arith.constant 0.000000e+00 : f32
      %broadcast_in_dim3A_126 = vector.broadcast %broadcast_in_dim3A_125 : f32 to vector<16xf32>
      %swap3A_127 = arith.index_cast %scan3A_104 : i32 to index
      %swap3A_128 = arith.constant 48 : index
      %swap3A_129 = tpu.vector_load %arg8[%swap3A_127, %swap3A_128] {strides = array<i32>} : memref<128x128xf32, #tpu.memory_space<vmem>>, vector<1x16xf32>,
      %swap3A_130 = vector.shape_cast %swap3A_129 : vector<1x16xf32> to vector<16xf32>
      %swap3A_131 = vector.shape_cast %broadcast_in_dim3A_126 : vector<16xf32> to vector<1x16xf32>
      tpu.vector_store %arg8[%swap3A_127, %swap3A_128], %swap3A_131 {strides = array<i32>} : memref<128x128xf32, #tpu.memory_space<vmem>>, vector<1x16xf32>,
      %broadcast_in_dim3A_132 = arith.constant 0.000000e+00 : f32
      %broadcast_in_dim3A_133 = vector.broadcast %broadcast_in_dim3A_132 : f32 to vector<16xf32>
      %swap3A_134 = arith.index_cast %scan3A_104 : i32 to index
      %swap3A_135 = arith.constant 64 : index
      %swap3A_136 = tpu.vector_load %arg8[%swap3A_134, %swap3A_135] {strides = array<i32>} : memref<128x128xf32, #tpu.memory_space<vmem>>, vector<1x16xf32>,
      %swap3A_137 = vector.shape_cast %swap3A_136 : vector<1x16xf32> to vector<16xf32>
      %swap3A_138 = vector.shape_cast %broadcast_in_dim3A_133 : vector<16xf32> to vector<1x16xf32>
      tpu.vector_store %arg8[%swap3A_134, %swap3A_135], %swap3A_138 {strides = array<i32>} : memref<128x128xf32, #tpu.memory_space<vmem>>, vector<1x16xf32>,
      %broadcast_in_dim3A_139 = arith.constant 0.000000e+00 : f32
      %broadcast_in_dim3A_140 = vector.broadcast %broadcast_in_dim3A_139 : f32 to vector<16xf32>
      %swap3A_141 = arith.index_cast %scan3A_104 : i32 to index
      %swap3A_142 = arith.constant 80 : index
      %swap3A_143 = tpu.vector_load %arg8[%swap3A_141, %swap3A_142] {strides = array<i32>} : memref<128x128xf32, #tpu.memory_space<vmem>>, vector<1x16xf32>,
      %swap3A_144 = vector.shape_cast %swap3A_143 : vector<1x16xf32> to vector<16xf32>
      %swap3A_145 = vector.shape_cast %broadcast_in_dim3A_140 : vector<16xf32> to vector<1x16xf32>
      tpu.vector_store %arg8[%swap3A_141, %swap3A_142], %swap3A_145 {strides = array<i32>} : memref<128x128xf32, #tpu.memory_space<vmem>>, vector<1x16xf32>,
      %broadcast_in_dim3A_146 = arith.constant 0.000000e+00 : f32
      %broadcast_in_dim3A_147 = vector.broadcast %broadcast_in_dim3A_146 : f32 to vector<16xf32>
      %swap3A_148 = arith.index_cast %scan3A_104 : i32 to index
      %swap3A_149 = arith.constant 96 : index
      %swap3A_150 = tpu.vector_load %arg8[%swap3A_148, %swap3A_149] {strides = array<i32>} : memref<128x128xf32, #tpu.memory_space<vmem>>, vector<1x16xf32>,
      %swap3A_151 = vector.shape_cast %swap3A_150 : vector<1x16xf32> to vector<16xf32>
      %swap3A_152 = vector.shape_cast %broadcast_in_dim3A_147 : vector<16xf32> to vector<1x16xf32>
      tpu.vector_store %arg8[%swap3A_148, %swap3A_149], %swap3A_152 {strides = array<i32>} : memref<128x128xf32, #tpu.memory_space<vmem>>, vector<1x16xf32>,
      %broadcast_in_dim3A_153 = arith.constant 0.000000e+00 : f32
      %broadcast_in_dim3A_154 = vector.broadcast %broadcast_in_dim3A_153 : f32 to vector<16xf32>
      %swap3A_155 = arith.index_cast %scan3A_104 : i32 to index
      %swap3A_156 = arith.constant 112 : index
      %swap3A_157 = tpu.vector_load %arg8[%swap3A_155, %swap3A_156] {strides = array<i32>} : memref<128x128xf32, #tpu.memory_space<vmem>>, vector<1x16xf32>,
      %swap3A_158 = vector.shape_cast %swap3A_157 : vector<1x16xf32> to vector<16xf32>
      %swap3A_159 = vector.shape_cast %broadcast_in_dim3A_154 : vector<16xf32> to vector<1x16xf32>
      tpu.vector_store %arg8[%swap3A_155, %swap3A_156], %swap3A_159 {strides = array<i32>} : memref<128x128xf32, #tpu.memory_space<vmem>>, vector<1x16xf32>,
      %scan3A_160 = arith.constant 0 : i32
      scf.yield %scan3A_160 : i32
    }
    %scan3A_21 = arith.constant 128 : i32
    %mul3A_22 = arith.constant 640 : i32
    %mul3A_23 = arith.muli %arg1, %mul3A_22 : i32
    %add3A_24 = arith.constant 0 : i32
    %add3A_25 = arith.addi %mul3A_23, %add3A_24 : i32
    "tpu.region"() ({
      %run_scoped3A = tpu.sem_alloc : memref<!tpu.dma_semaphore, #tpu.memory_space<semaphore_mem>>
      %dma_start3A_104 = arith.constant 0 : i32
      %dma_start3A_105 = tpu.memref_slice %arg10[%add3A_25, %dma_start3A_104] : memref<10240x128xf32, #tpu.memory_space<vmem_shared>> -> memref<128x128xf32, #tpu.memory_space<vmem_shared>>
      %dma_start3A_106 = arith.constant 0 : i32
      %dma_start3A_107 = tpu.memref_slice %arg10[%add3A_25, %dma_start3A_106] : memref<10240x128xf32, #tpu.memory_space<vmem_shared>> -> memref<128x128xf32, #tpu.memory_space<vmem_shared>>
      tpu.enqueue_dma source(%arg8 : memref<128x128xf32, #tpu.memory_space<vmem>>) target(%dma_start3A_107 : memref<128x128xf32, #tpu.memory_space<vmem_shared>>) target_semaphore(%run_scoped3A : memref<!tpu.dma_semaphore, #tpu.memory_space<semaphore_mem>>)
      %dma_wait3A_108 = arith.constant 0 : i32
      %dma_wait3A_109 = tpu.memref_slice %arg10[%add3A_25, %dma_wait3A_108] : memref<10240x128xf32, #tpu.memory_space<vmem_shared>> -> memref<128x128xf32, #tpu.memory_space<vmem_shared>>
      %dma_wait3A_110 = arith.constant 0 : i32
      %dma_wait3A_111 = tpu.memref_slice %arg10[%add3A_25, %dma_wait3A_110] : memref<10240x128xf32, #tpu.memory_space<vmem_shared>> -> memref<128x128xf32, #tpu.memory_space<vmem_shared>>
      tpu.wait_dma2 semaphore(%run_scoped3A : memref<!tpu.dma_semaphore, #tpu.memory_space<semaphore_mem>>) src(%arg8 : memref<128x128xf32, #tpu.memory_space<vmem>>) dst(%dma_wait3A_111 : memref<128x128xf32, #tpu.memory_space<vmem_shared>>)
      tpu.yield
    }) : () -> ()
    %mul3A_26 = arith.constant 640 : i32
    %mul3A_27 = arith.muli %arg1, %mul3A_26 : i32
    %add3A_28 = arith.constant 128 : i32
    %add3A_29 = arith.addi %mul3A_27, %add3A_28 : i32
    "tpu.region"() ({
      %run_scoped3A = tpu.sem_alloc : memref<!tpu.dma_semaphore, #tpu.memory_space<semaphore_mem>>
      %dma_start3A_104 = arith.constant 0 : i32
      %dma_start3A_105 = tpu.memref_slice %arg10[%add3A_29, %dma_start3A_104] : memref<10240x128xf32, #tpu.memory_space<vmem_shared>> -> memref<128x128xf32, #tpu.memory_space<vmem_shared>>
      %dma_start3A_106 = arith.constant 0 : i32
      %dma_start3A_107 = tpu.memref_slice %arg10[%add3A_29, %dma_start3A_106] : memref<10240x128xf32, #tpu.memory_space<vmem_shared>> -> memref<128x128xf32, #tpu.memory_space<vmem_shared>>
      tpu.enqueue_dma source(%arg8 : memref<128x128xf32, #tpu.memory_space<vmem>>) target(%dma_start3A_107 : memref<128x128xf32, #tpu.memory_space<vmem_shared>>) target_semaphore(%run_scoped3A : memref<!tpu.dma_semaphore, #tpu.memory_space<semaphore_mem>>)
      %dma_wait3A_108 = arith.constant 0 : i32
      %dma_wait3A_109 = tpu.memref_slice %arg10[%add3A_29, %dma_wait3A_108] : memref<10240x128xf32, #tpu.memory_space<vmem_shared>> -> memref<128x128xf32, #tpu.memory_space<vmem_shared>>
      %dma_wait3A_110 = arith.constant 0 : i32
      %dma_wait3A_111 = tpu.memref_slice %arg10[%add3A_29, %dma_wait3A_110] : memref<10240x128xf32, #tpu.memory_space<vmem_shared>> -> memref<128x128xf32, #tpu.memory_space<vmem_shared>>
      tpu.wait_dma2 semaphore(%run_scoped3A : memref<!tpu.dma_semaphore, #tpu.memory_space<semaphore_mem>>) src(%arg8 : memref<128x128xf32, #tpu.memory_space<vmem>>) dst(%dma_wait3A_111 : memref<128x128xf32, #tpu.memory_space<vmem_shared>>)
      tpu.yield
    }) : () -> ()
    %mul3A_30 = arith.constant 640 : i32
    %mul3A_31 = arith.muli %arg1, %mul3A_30 : i32
    %add3A_32 = arith.constant 256 : i32
    %add3A_33 = arith.addi %mul3A_31, %add3A_32 : i32
    "tpu.region"() ({
      %run_scoped3A = tpu.sem_alloc : memref<!tpu.dma_semaphore, #tpu.memory_space<semaphore_mem>>
      %dma_start3A_104 = arith.constant 0 : i32
      %dma_start3A_105 = tpu.memref_slice %arg10[%add3A_33, %dma_start3A_104] : memref<10240x128xf32, #tpu.memory_space<vmem_shared>> -> memref<128x128xf32, #tpu.memory_space<vmem_shared>>
      %dma_start3A_106 = arith.constant 0 : i32
      %dma_start3A_107 = tpu.memref_slice %arg10[%add3A_33, %dma_start3A_106] : memref<10240x128xf32, #tpu.memory_space<vmem_shared>> -> memref<128x128xf32, #tpu.memory_space<vmem_shared>>
      tpu.enqueue_dma source(%arg8 : memref<128x128xf32, #tpu.memory_space<vmem>>) target(%dma_start3A_107 : memref<128x128xf32, #tpu.memory_space<vmem_shared>>) target_semaphore(%run_scoped3A : memref<!tpu.dma_semaphore, #tpu.memory_space<semaphore_mem>>)
      %dma_wait3A_108 = arith.constant 0 : i32
      %dma_wait3A_109 = tpu.memref_slice %arg10[%add3A_33, %dma_wait3A_108] : memref<10240x128xf32, #tpu.memory_space<vmem_shared>> -> memref<128x128xf32, #tpu.memory_space<vmem_shared>>
      %dma_wait3A_110 = arith.constant 0 : i32
      %dma_wait3A_111 = tpu.memref_slice %arg10[%add3A_33, %dma_wait3A_110] : memref<10240x128xf32, #tpu.memory_space<vmem_shared>> -> memref<128x128xf32, #tpu.memory_space<vmem_shared>>
      tpu.wait_dma2 semaphore(%run_scoped3A : memref<!tpu.dma_semaphore, #tpu.memory_space<semaphore_mem>>) src(%arg8 : memref<128x128xf32, #tpu.memory_space<vmem>>) dst(%dma_wait3A_111 : memref<128x128xf32, #tpu.memory_space<vmem_shared>>)
      tpu.yield
    }) : () -> ()
    %mul3A_34 = arith.constant 640 : i32
    %mul3A_35 = arith.muli %arg1, %mul3A_34 : i32
    %add3A_36 = arith.constant 384 : i32
    %add3A_37 = arith.addi %mul3A_35, %add3A_36 : i32
    "tpu.region"() ({
      %run_scoped3A = tpu.sem_alloc : memref<!tpu.dma_semaphore, #tpu.memory_space<semaphore_mem>>
      %dma_start3A_104 = arith.constant 0 : i32
      %dma_start3A_105 = tpu.memref_slice %arg10[%add3A_37, %dma_start3A_104] : memref<10240x128xf32, #tpu.memory_space<vmem_shared>> -> memref<128x128xf32, #tpu.memory_space<vmem_shared>>
      %dma_start3A_106 = arith.constant 0 : i32
      %dma_start3A_107 = tpu.memref_slice %arg10[%add3A_37, %dma_start3A_106] : memref<10240x128xf32, #tpu.memory_space<vmem_shared>> -> memref<128x128xf32, #tpu.memory_space<vmem_shared>>
      tpu.enqueue_dma source(%arg8 : memref<128x128xf32, #tpu.memory_space<vmem>>) target(%dma_start3A_107 : memref<128x128xf32, #tpu.memory_space<vmem_shared>>) target_semaphore(%run_scoped3A : memref<!tpu.dma_semaphore, #tpu.memory_space<semaphore_mem>>)
      %dma_wait3A_108 = arith.constant 0 : i32
      %dma_wait3A_109 = tpu.memref_slice %arg10[%add3A_37, %dma_wait3A_108] : memref<10240x128xf32, #tpu.memory_space<vmem_shared>> -> memref<128x128xf32, #tpu.memory_space<vmem_shared>>
      %dma_wait3A_110 = arith.constant 0 : i32
      %dma_wait3A_111 = tpu.memref_slice %arg10[%add3A_37, %dma_wait3A_110] : memref<10240x128xf32, #tpu.memory_space<vmem_shared>> -> memref<128x128xf32, #tpu.memory_space<vmem_shared>>
      tpu.wait_dma2 semaphore(%run_scoped3A : memref<!tpu.dma_semaphore, #tpu.memory_space<semaphore_mem>>) src(%arg8 : memref<128x128xf32, #tpu.memory_space<vmem>>) dst(%dma_wait3A_111 : memref<128x128xf32, #tpu.memory_space<vmem_shared>>)
      tpu.yield
    }) : () -> ()
    %mul3A_38 = arith.constant 640 : i32
    %mul3A_39 = arith.muli %arg1, %mul3A_38 : i32
    %add3A_40 = arith.constant 512 : i32
    %add3A_41 = arith.addi %mul3A_39, %add3A_40 : i32
    "tpu.region"() ({
      %run_scoped3A = tpu.sem_alloc : memref<!tpu.dma_semaphore, #tpu.memory_space<semaphore_mem>>
      %dma_start3A_104 = arith.constant 0 : i32
      %dma_start3A_105 = tpu.memref_slice %arg10[%add3A_41, %dma_start3A_104] : memref<10240x128xf32, #tpu.memory_space<vmem_shared>> -> memref<128x128xf32, #tpu.memory_space<vmem_shared>>
      %dma_start3A_106 = arith.constant 0 : i32
      %dma_start3A_107 = tpu.memref_slice %arg10[%add3A_41, %dma_start3A_106] : memref<10240x128xf32, #tpu.memory_space<vmem_shared>> -> memref<128x128xf32, #tpu.memory_space<vmem_shared>>
      tpu.enqueue_dma source(%arg8 : memref<128x128xf32, #tpu.memory_space<vmem>>) target(%dma_start3A_107 : memref<128x128xf32, #tpu.memory_space<vmem_shared>>) target_semaphore(%run_scoped3A : memref<!tpu.dma_semaphore, #tpu.memory_space<semaphore_mem>>)
      %dma_wait3A_108 = arith.constant 0 : i32
      %dma_wait3A_109 = tpu.memref_slice %arg10[%add3A_41, %dma_wait3A_108] : memref<10240x128xf32, #tpu.memory_space<vmem_shared>> -> memref<128x128xf32, #tpu.memory_space<vmem_shared>>
      %dma_wait3A_110 = arith.constant 0 : i32
      %dma_wait3A_111 = tpu.memref_slice %arg10[%add3A_41, %dma_wait3A_110] : memref<10240x128xf32, #tpu.memory_space<vmem_shared>> -> memref<128x128xf32, #tpu.memory_space<vmem_shared>>
      tpu.wait_dma2 semaphore(%run_scoped3A : memref<!tpu.dma_semaphore, #tpu.memory_space<semaphore_mem>>) src(%arg8 : memref<128x128xf32, #tpu.memory_space<vmem>>) dst(%dma_wait3A_111 : memref<128x128xf32, #tpu.memory_space<vmem_shared>>)
      tpu.yield
    }) : () -> ()
    %dma_wait3A = arith.constant 0 : i32
    %dma_wait3A_42 = arith.constant 0 : i32
    %dma_wait3A_43 = tpu.memref_slice %arg3[%add3A, %dma_wait3A, %dma_wait3A_42] : memref<32x80x128xi32, #tpu.memory_space<hbm>> -> memref<1x40x128xi32, #tpu.memory_space<hbm>>
    %dma_wait3A_44 = tpu.memref_squeeze %dma_wait3A_43 : memref<1x40x128xi32, #tpu.memory_space<hbm>> -> memref<40x128xi32, #tpu.memory_space<hbm>>
    %dma_wait3A_45 = arith.constant 0 : i32
    %dma_wait3A_46 = arith.constant 0 : i32
    %dma_wait3A_47 = tpu.memref_slice %arg3[%add3A, %dma_wait3A_45, %dma_wait3A_46] : memref<32x80x128xi32, #tpu.memory_space<hbm>> -> memref<1x40x128xi32, #tpu.memory_space<hbm>>
    %dma_wait3A_48 = tpu.memref_squeeze %dma_wait3A_47 : memref<1x40x128xi32, #tpu.memory_space<hbm>> -> memref<40x128xi32, #tpu.memory_space<hbm>>
    tpu.wait_dma2 semaphore(%arg11 : memref<!tpu.dma_semaphore, #tpu.memory_space<semaphore_mem>>) src(%dma_wait3A_48 : memref<40x128xi32, #tpu.memory_space<hbm>>) dst(%arg6 : memref<40x128xi32, #tpu.memory_space<vmem>>)
    %dma_wait3A_49 = arith.constant 0 : i32
    %dma_wait3A_50 = arith.constant 0 : i32
    %dma_wait3A_51 = tpu.memref_slice %arg4[%add3A, %dma_wait3A_49, %dma_wait3A_50] : memref<32x80x128xi32, #tpu.memory_space<hbm>> -> memref<1x40x128xi32, #tpu.memory_space<hbm>>
    %dma_wait3A_52 = tpu.memref_squeeze %dma_wait3A_51 : memref<1x40x128xi32, #tpu.memory_space<hbm>> -> memref<40x128xi32, #tpu.memory_space<hbm>>
    %dma_wait3A_53 = arith.constant 0 : i32
    %dma_wait3A_54 = arith.constant 0 : i32
    %dma_wait3A_55 = tpu.memref_slice %arg4[%add3A, %dma_wait3A_53, %dma_wait3A_54] : memref<32x80x128xi32, #tpu.memory_space<hbm>> -> memref<1x40x128xi32, #tpu.memory_space<hbm>>
    %dma_wait3A_56 = tpu.memref_squeeze %dma_wait3A_55 : memref<1x40x128xi32, #tpu.memory_space<hbm>> -> memref<40x128xi32, #tpu.memory_space<hbm>>
    tpu.wait_dma2 semaphore(%arg12 : memref<!tpu.dma_semaphore, #tpu.memory_space<semaphore_mem>>) src(%dma_wait3A_56 : memref<40x128xi32, #tpu.memory_space<hbm>>) dst(%arg7 : memref<40x128xi32, #tpu.memory_space<vmem>>)
    %barrier3A = arith.constant 0 : index
    tpu.barrier barrier_id(%barrier3A)
    %dma_start3A_57 = arith.constant 0 : i32
    %dma_start3A_58 = arith.constant 0 : i32
    %dma_start3A_59 = tpu.memref_slice %arg6[%dma_start3A_57, %dma_start3A_58] : memref<40x128xi32, #tpu.memory_space<vmem>> -> memref<1x128xi32, #tpu.memory_space<vmem>>
    %dma_start3A_60 = tpu.memref_squeeze %dma_start3A_59 : memref<1x128xi32, #tpu.memory_space<vmem>> -> memref<128xi32, #tpu.memory_space<vmem>>
    %dma_start3A_61 = arith.constant 0 : i32
    %dma_start3A_62 = arith.constant 0 : i32
    %dma_start3A_63 = tpu.memref_slice %arg2[%dma_start3A_61, %dma_start3A_62] : memref<10000x128xf32, #tpu.memory_space<hbm>> -> memref<10000x128xf32, #tpu.memory_space<hbm>>
    tpu.enqueue_indirect_dma source(%dma_start3A_63 : memref<10000x128xf32, #tpu.memory_space<hbm>>) target(%arg8 : memref<128x128xf32, #tpu.memory_space<vmem>>) offsets(%dma_start3A_60 : memref<128xi32, #tpu.memory_space<vmem>>) semaphore(%arg11 : memref<!tpu.dma_semaphore, #tpu.memory_space<semaphore_mem>>)
    %dma_start3A_64 = arith.constant 1 : i32
    %dma_start3A_65 = arith.constant 0 : i32
    %dma_start3A_66 = tpu.memref_slice %arg6[%dma_start3A_64, %dma_start3A_65] : memref<40x128xi32, #tpu.memory_space<vmem>> -> memref<1x128xi32, #tpu.memory_space<vmem>>
    %dma_start3A_67 = tpu.memref_squeeze %dma_start3A_66 : memref<1x128xi32, #tpu.memory_space<vmem>> -> memref<128xi32, #tpu.memory_space<vmem>>
    %dma_start3A_68 = arith.constant 0 : i32
    %dma_start3A_69 = arith.constant 0 : i32
    %dma_start3A_70 = tpu.memref_slice %arg2[%dma_start3A_68, %dma_start3A_69] : memref<10000x128xf32, #tpu.memory_space<hbm>> -> memref<10000x128xf32, #tpu.memory_space<hbm>>
    tpu.enqueue_indirect_dma source(%dma_start3A_70 : memref<10000x128xf32, #tpu.memory_space<hbm>>) target(%arg9 : memref<128x128xf32, #tpu.memory_space<vmem>>) offsets(%dma_start3A_67 : memref<128xi32, #tpu.memory_space<vmem>>) semaphore(%arg12 : memref<!tpu.dma_semaphore, #tpu.memory_space<semaphore_mem>>)
    %scan3A_71 = arith.constant 0 : i32
    %scan3A_72 = arith.constant 0 : i32
    %scan3A_73 = arith.constant 20 : i32
    %scan3A_74 = arith.addi %scan3A_72, %scan3A_73 : i32
    %scan3A_75 = arith.constant 1 : i32
    %scan3A_76 = scf.for %scan3A_104 = %scan3A_72 to %scan3A_74 step %scan3A_75 iter_args(%scan3A_105 = %scan3A_71) -> (i32)  : i32 {
      %mul3A_106 = arith.constant 2 : i32
      %mul3A_107 = arith.muli %mul3A_106, %scan3A_104 : i32
      %add3A_108 = arith.constant 1 : i32
      %add3A_109 = arith.addi %mul3A_107, %add3A_108 : i32
      %dma_wait3A_110 = arith.constant 0 : i32
      %dma_wait3A_111 = tpu.memref_slice %arg6[%mul3A_107, %dma_wait3A_110] : memref<40x128xi32, #tpu.memory_space<vmem>> -> memref<1x128xi32, #tpu.memory_space<vmem>>
      %dma_wait3A_112 = tpu.memref_squeeze %dma_wait3A_111 : memref<1x128xi32, #tpu.memory_space<vmem>> -> memref<128xi32, #tpu.memory_space<vmem>>
      %dma_wait3A_113 = arith.constant 0 : i32
      %dma_wait3A_114 = arith.constant 0 : i32
      %dma_wait3A_115 = tpu.memref_slice %arg2[%dma_wait3A_113, %dma_wait3A_114] : memref<10000x128xf32, #tpu.memory_space<hbm>> -> memref<10000x128xf32, #tpu.memory_space<hbm>>
      tpu.wait_indirect_dma semaphore(%arg11 : memref<!tpu.dma_semaphore, #tpu.memory_space<semaphore_mem>>) src(%dma_wait3A_115 : memref<10000x128xf32, #tpu.memory_space<hbm>>) dst(%arg8 : memref<128x128xf32, #tpu.memory_space<vmem>>)
      "tpu.region"() ({
        %run_scoped3A = tpu.sem_alloc : memref<!tpu.dma_semaphore, #tpu.memory_space<semaphore_mem>>
        %dma_start3A_134 = arith.constant 0 : i32
        %dma_start3A_135 = tpu.memref_slice %arg7[%mul3A_107, %dma_start3A_134] : memref<40x128xi32, #tpu.memory_space<vmem>> -> memref<1x128xi32, #tpu.memory_space<vmem>>
        %dma_start3A_136 = tpu.memref_squeeze %dma_start3A_135 : memref<1x128xi32, #tpu.memory_space<vmem>> -> memref<128xi32, #tpu.memory_space<vmem>>
        %dma_start3A_137 = arith.constant 0 : i32
        %dma_start3A_138 = arith.constant 0 : i32
        %dma_start3A_139 = tpu.memref_slice %arg10[%dma_start3A_137, %dma_start3A_138] : memref<10240x128xf32, #tpu.memory_space<vmem_shared>> -> memref<10240x128xf32, #tpu.memory_space<vmem_shared>>
        tpu.enqueue_indirect_dma source(%arg8 : memref<128x128xf32, #tpu.memory_space<vmem>>) target(%dma_start3A_139 : memref<10240x128xf32, #tpu.memory_space<vmem_shared>>) offsets(%dma_start3A_136 : memref<128xi32, #tpu.memory_space<vmem>>) semaphore(%run_scoped3A : memref<!tpu.dma_semaphore, #tpu.memory_space<semaphore_mem>>) {add = true}
        %dma_wait3A_140 = arith.constant 0 : i32
        %dma_wait3A_141 = tpu.memref_slice %arg7[%mul3A_107, %dma_wait3A_140] : memref<40x128xi32, #tpu.memory_space<vmem>> -> memref<1x128xi32, #tpu.memory_space<vmem>>
        %dma_wait3A_142 = tpu.memref_squeeze %dma_wait3A_141 : memref<1x128xi32, #tpu.memory_space<vmem>> -> memref<128xi32, #tpu.memory_space<vmem>>
        %dma_wait3A_143 = arith.constant 0 : i32
        %dma_wait3A_144 = arith.constant 0 : i32
        %dma_wait3A_145 = tpu.memref_slice %arg10[%dma_wait3A_143, %dma_wait3A_144] : memref<10240x128xf32, #tpu.memory_space<vmem_shared>> -> memref<10240x128xf32, #tpu.memory_space<vmem_shared>>
        tpu.wait_indirect_dma semaphore(%run_scoped3A : memref<!tpu.dma_semaphore, #tpu.memory_space<semaphore_mem>>) src(%arg8 : memref<128x128xf32, #tpu.memory_space<vmem>>) dst(%dma_wait3A_145 : memref<10240x128xf32, #tpu.memory_space<vmem_shared>>)
        tpu.yield
      }) : () -> ()
      %add3A_116 = arith.constant 2 : i32
      %add3A_117 = arith.addi %mul3A_107, %add3A_116 : i32
      %lt3A = arith.constant 40 : i32
      %lt3A_118 = arith.cmpi slt, %add3A_117, %lt3A : i32
      %convert_element_type3A = arith.extui %lt3A_118 : i1 to i32
      %cond3A = arith.constant 0 : i32
      %cond3A_119 = arith.cmpi ne, %convert_element_type3A, %cond3A : i32
      scf.if %cond3A_119 {
        %add3A_134 = arith.constant 2 : i32
        %add3A_135 = arith.addi %mul3A_107, %add3A_134 : i32
        %dma_start3A_136 = arith.constant 0 : i32
        %dma_start3A_137 = tpu.memref_slice %arg6[%add3A_135, %dma_start3A_136] : memref<40x128xi32, #tpu.memory_space<vmem>> -> memref<1x128xi32, #tpu.memory_space<vmem>>
        %dma_start3A_138 = tpu.memref_squeeze %dma_start3A_137 : memref<1x128xi32, #tpu.memory_space<vmem>> -> memref<128xi32, #tpu.memory_space<vmem>>
        %dma_start3A_139 = arith.constant 0 : i32
        %dma_start3A_140 = arith.constant 0 : i32
        %dma_start3A_141 = tpu.memref_slice %arg2[%dma_start3A_139, %dma_start3A_140] : memref<10000x128xf32, #tpu.memory_space<hbm>> -> memref<10000x128xf32, #tpu.memory_space<hbm>>
        tpu.enqueue_indirect_dma source(%dma_start3A_141 : memref<10000x128xf32, #tpu.memory_space<hbm>>) target(%arg8 : memref<128x128xf32, #tpu.memory_space<vmem>>) offsets(%dma_start3A_138 : memref<128xi32, #tpu.memory_space<vmem>>) semaphore(%arg11 : memref<!tpu.dma_semaphore, #tpu.memory_space<semaphore_mem>>)
      } else {
      }
      %dma_wait3A_120 = arith.constant 0 : i32
      %dma_wait3A_121 = tpu.memref_slice %arg6[%add3A_109, %dma_wait3A_120] : memref<40x128xi32, #tpu.memory_space<vmem>> -> memref<1x128xi32, #tpu.memory_space<vmem>>
      %dma_wait3A_122 = tpu.memref_squeeze %dma_wait3A_121 : memref<1x128xi32, #tpu.memory_space<vmem>> -> memref<128xi32, #tpu.memory_space<vmem>>
      %dma_wait3A_123 = arith.constant 0 : i32
      %dma_wait3A_124 = arith.constant 0 : i32
      %dma_wait3A_125 = tpu.memref_slice %arg2[%dma_wait3A_123, %dma_wait3A_124] : memref<10000x128xf32, #tpu.memory_space<hbm>> -> memref<10000x128xf32, #tpu.memory_space<hbm>>
      tpu.wait_indirect_dma semaphore(%arg12 : memref<!tpu.dma_semaphore, #tpu.memory_space<semaphore_mem>>) src(%dma_wait3A_125 : memref<10000x128xf32, #tpu.memory_space<hbm>>) dst(%arg9 : memref<128x128xf32, #tpu.memory_space<vmem>>)
      "tpu.region"() ({
        %run_scoped3A = tpu.sem_alloc : memref<!tpu.dma_semaphore, #tpu.memory_space<semaphore_mem>>
        %dma_start3A_134 = arith.constant 0 : i32
        %dma_start3A_135 = tpu.memref_slice %arg7[%add3A_109, %dma_start3A_134] : memref<40x128xi32, #tpu.memory_space<vmem>> -> memref<1x128xi32, #tpu.memory_space<vmem>>
        %dma_start3A_136 = tpu.memref_squeeze %dma_start3A_135 : memref<1x128xi32, #tpu.memory_space<vmem>> -> memref<128xi32, #tpu.memory_space<vmem>>
        %dma_start3A_137 = arith.constant 0 : i32
        %dma_start3A_138 = arith.constant 0 : i32
        %dma_start3A_139 = tpu.memref_slice %arg10[%dma_start3A_137, %dma_start3A_138] : memref<10240x128xf32, #tpu.memory_space<vmem_shared>> -> memref<10240x128xf32, #tpu.memory_space<vmem_shared>>
        tpu.enqueue_indirect_dma source(%arg9 : memref<128x128xf32, #tpu.memory_space<vmem>>) target(%dma_start3A_139 : memref<10240x128xf32, #tpu.memory_space<vmem_shared>>) offsets(%dma_start3A_136 : memref<128xi32, #tpu.memory_space<vmem>>) semaphore(%run_scoped3A : memref<!tpu.dma_semaphore, #tpu.memory_space<semaphore_mem>>) {add = true}
        %dma_wait3A_140 = arith.constant 0 : i32
        %dma_wait3A_141 = tpu.memref_slice %arg7[%add3A_109, %dma_wait3A_140] : memref<40x128xi32, #tpu.memory_space<vmem>> -> memref<1x128xi32, #tpu.memory_space<vmem>>
        %dma_wait3A_142 = tpu.memref_squeeze %dma_wait3A_141 : memref<1x128xi32, #tpu.memory_space<vmem>> -> memref<128xi32, #tpu.memory_space<vmem>>
        %dma_wait3A_143 = arith.constant 0 : i32
        %dma_wait3A_144 = arith.constant 0 : i32
        %dma_wait3A_145 = tpu.memref_slice %arg10[%dma_wait3A_143, %dma_wait3A_144] : memref<10240x128xf32, #tpu.memory_space<vmem_shared>> -> memref<10240x128xf32, #tpu.memory_space<vmem_shared>>
        tpu.wait_indirect_dma semaphore(%run_scoped3A : memref<!tpu.dma_semaphore, #tpu.memory_space<semaphore_mem>>) src(%arg9 : memref<128x128xf32, #tpu.memory_space<vmem>>) dst(%dma_wait3A_145 : memref<10240x128xf32, #tpu.memory_space<vmem_shared>>)
        tpu.yield
      }) : () -> ()
      %add3A_126 = arith.constant 2 : i32
      %add3A_127 = arith.addi %add3A_109, %add3A_126 : i32
      %lt3A_128 = arith.constant 40 : i32
      %lt3A_129 = arith.cmpi slt, %add3A_127, %lt3A_128 : i32
      %convert_element_type3A_130 = arith.extui %lt3A_129 : i1 to i32
      %cond3A_131 = arith.constant 0 : i32
      %cond3A_132 = arith.cmpi ne, %convert_element_type3A_130, %cond3A_131 : i32
      scf.if %cond3A_132 {
        %add3A_134 = arith.constant 2 : i32
        %add3A_135 = arith.addi %add3A_109, %add3A_134 : i32
        %dma_start3A_136 = arith.constant 0 : i32
        %dma_start3A_137 = tpu.memref_slice %arg6[%add3A_135, %dma_start3A_136] : memref<40x128xi32, #tpu.memory_space<vmem>> -> memref<1x128xi32, #tpu.memory_space<vmem>>
        %dma_start3A_138 = tpu.memref_squeeze %dma_start3A_137 : memref<1x128xi32, #tpu.memory_space<vmem>> -> memref<128xi32, #tpu.memory_space<vmem>>
        %dma_start3A_139 = arith.constant 0 : i32
        %dma_start3A_140 = arith.constant 0 : i32
        %dma_start3A_141 = tpu.memref_slice %arg2[%dma_start3A_139, %dma_start3A_140] : memref<10000x128xf32, #tpu.memory_space<hbm>> -> memref<10000x128xf32, #tpu.memory_space<hbm>>
        tpu.enqueue_indirect_dma source(%dma_start3A_141 : memref<10000x128xf32, #tpu.memory_space<hbm>>) target(%arg9 : memref<128x128xf32, #tpu.memory_space<vmem>>) offsets(%dma_start3A_138 : memref<128xi32, #tpu.memory_space<vmem>>) semaphore(%arg12 : memref<!tpu.dma_semaphore, #tpu.memory_space<semaphore_mem>>)
      } else {
      }
      %scan3A_133 = arith.constant 0 : i32
      scf.yield %scan3A_133 : i32
    }
    %scan3A_77 = arith.constant 20 : i32
    "tpu.region"() ({
      %run_scoped3A = tpu.sem_alloc : memref<!tpu.dma_semaphore, #tpu.memory_space<semaphore_mem>>
      %dma_start3A_104 = arith.constant 40 : i32
      %dma_start3A_105 = arith.constant 0 : i32
      %dma_start3A_106 = tpu.memref_slice %arg3[%add3A, %dma_start3A_104, %dma_start3A_105] : memref<32x80x128xi32, #tpu.memory_space<hbm>> -> memref<1x40x128xi32, #tpu.memory_space<hbm>>
      %dma_start3A_107 = tpu.memref_squeeze %dma_start3A_106 : memref<1x40x128xi32, #tpu.memory_space<hbm>> -> memref<40x128xi32, #tpu.memory_space<hbm>>
      %dma_start3A_108 = arith.constant 40 : i32
      %dma_start3A_109 = arith.constant 0 : i32
      %dma_start3A_110 = tpu.memref_slice %arg3[%add3A, %dma_start3A_108, %dma_start3A_109] : memref<32x80x128xi32, #tpu.memory_space<hbm>> -> memref<1x40x128xi32, #tpu.memory_space<hbm>>
      %dma_start3A_111 = tpu.memref_squeeze %dma_start3A_110 : memref<1x40x128xi32, #tpu.memory_space<hbm>> -> memref<40x128xi32, #tpu.memory_space<hbm>>
      tpu.enqueue_dma source(%dma_start3A_111 : memref<40x128xi32, #tpu.memory_space<hbm>>) target(%arg6 : memref<40x128xi32, #tpu.memory_space<vmem>>) target_semaphore(%run_scoped3A : memref<!tpu.dma_semaphore, #tpu.memory_space<semaphore_mem>>)
      %dma_wait3A_112 = arith.constant 40 : i32
      %dma_wait3A_113 = arith.constant 0 : i32
      %dma_wait3A_114 = tpu.memref_slice %arg3[%add3A, %dma_wait3A_112, %dma_wait3A_113] : memref<32x80x128xi32, #tpu.memory_space<hbm>> -> memref<1x40x128xi32, #tpu.memory_space<hbm>>
      %dma_wait3A_115 = tpu.memref_squeeze %dma_wait3A_114 : memref<1x40x128xi32, #tpu.memory_space<hbm>> -> memref<40x128xi32, #tpu.memory_space<hbm>>
      %dma_wait3A_116 = arith.constant 40 : i32
      %dma_wait3A_117 = arith.constant 0 : i32
      %dma_wait3A_118 = tpu.memref_slice %arg3[%add3A, %dma_wait3A_116, %dma_wait3A_117] : memref<32x80x128xi32, #tpu.memory_space<hbm>> -> memref<1x40x128xi32, #tpu.memory_space<hbm>>
      %dma_wait3A_119 = tpu.memref_squeeze %dma_wait3A_118 : memref<1x40x128xi32, #tpu.memory_space<hbm>> -> memref<40x128xi32, #tpu.memory_space<hbm>>
      tpu.wait_dma2 semaphore(%run_scoped3A : memref<!tpu.dma_semaphore, #tpu.memory_space<semaphore_mem>>) src(%dma_wait3A_119 : memref<40x128xi32, #tpu.memory_space<hbm>>) dst(%arg6 : memref<40x128xi32, #tpu.memory_space<vmem>>)
      tpu.yield
    }) : () -> ()
    "tpu.region"() ({
      %run_scoped3A = tpu.sem_alloc : memref<!tpu.dma_semaphore, #tpu.memory_space<semaphore_mem>>
      %dma_start3A_104 = arith.constant 40 : i32
      %dma_start3A_105 = arith.constant 0 : i32
      %dma_start3A_106 = tpu.memref_slice %arg4[%add3A, %dma_start3A_104, %dma_start3A_105] : memref<32x80x128xi32, #tpu.memory_space<hbm>> -> memref<1x40x128xi32, #tpu.memory_space<hbm>>
      %dma_start3A_107 = tpu.memref_squeeze %dma_start3A_106 : memref<1x40x128xi32, #tpu.memory_space<hbm>> -> memref<40x128xi32, #tpu.memory_space<hbm>>
      %dma_start3A_108 = arith.constant 40 : i32
      %dma_start3A_109 = arith.constant 0 : i32
      %dma_start3A_110 = tpu.memref_slice %arg4[%add3A, %dma_start3A_108, %dma_start3A_109] : memref<32x80x128xi32, #tpu.memory_space<hbm>> -> memref<1x40x128xi32, #tpu.memory_space<hbm>>
      %dma_start3A_111 = tpu.memref_squeeze %dma_start3A_110 : memref<1x40x128xi32, #tpu.memory_space<hbm>> -> memref<40x128xi32, #tpu.memory_space<hbm>>
      tpu.enqueue_dma source(%dma_start3A_111 : memref<40x128xi32, #tpu.memory_space<hbm>>) target(%arg7 : memref<40x128xi32, #tpu.memory_space<vmem>>) target_semaphore(%run_scoped3A : memref<!tpu.dma_semaphore, #tpu.memory_space<semaphore_mem>>)
      %dma_wait3A_112 = arith.constant 40 : i32
      %dma_wait3A_113 = arith.constant 0 : i32
      %dma_wait3A_114 = tpu.memref_slice %arg4[%add3A, %dma_wait3A_112, %dma_wait3A_113] : memref<32x80x128xi32, #tpu.memory_space<hbm>> -> memref<1x40x128xi32, #tpu.memory_space<hbm>>
      %dma_wait3A_115 = tpu.memref_squeeze %dma_wait3A_114 : memref<1x40x128xi32, #tpu.memory_space<hbm>> -> memref<40x128xi32, #tpu.memory_space<hbm>>
      %dma_wait3A_116 = arith.constant 40 : i32
      %dma_wait3A_117 = arith.constant 0 : i32
      %dma_wait3A_118 = tpu.memref_slice %arg4[%add3A, %dma_wait3A_116, %dma_wait3A_117] : memref<32x80x128xi32, #tpu.memory_space<hbm>> -> memref<1x40x128xi32, #tpu.memory_space<hbm>>
      %dma_wait3A_119 = tpu.memref_squeeze %dma_wait3A_118 : memref<1x40x128xi32, #tpu.memory_space<hbm>> -> memref<40x128xi32, #tpu.memory_space<hbm>>
      tpu.wait_dma2 semaphore(%run_scoped3A : memref<!tpu.dma_semaphore, #tpu.memory_space<semaphore_mem>>) src(%dma_wait3A_119 : memref<40x128xi32, #tpu.memory_space<hbm>>) dst(%arg7 : memref<40x128xi32, #tpu.memory_space<vmem>>)
      tpu.yield
    }) : () -> ()
    %dma_start3A_78 = arith.constant 0 : i32
    %dma_start3A_79 = arith.constant 0 : i32
    %dma_start3A_80 = tpu.memref_slice %arg6[%dma_start3A_78, %dma_start3A_79] : memref<40x128xi32, #tpu.memory_space<vmem>> -> memref<1x128xi32, #tpu.memory_space<vmem>>
    %dma_start3A_81 = tpu.memref_squeeze %dma_start3A_80 : memref<1x128xi32, #tpu.memory_space<vmem>> -> memref<128xi32, #tpu.memory_space<vmem>>
    %dma_start3A_82 = arith.constant 0 : i32
    %dma_start3A_83 = arith.constant 0 : i32
    %dma_start3A_84 = tpu.memref_slice %arg2[%dma_start3A_82, %dma_start3A_83] : memref<10000x128xf32, #tpu.memory_space<hbm>> -> memref<10000x128xf32, #tpu.memory_space<hbm>>
    tpu.enqueue_indirect_dma source(%dma_start3A_84 : memref<10000x128xf32, #tpu.memory_space<hbm>>) target(%arg8 : memref<128x128xf32, #tpu.memory_space<vmem>>) offsets(%dma_start3A_81 : memref<128xi32, #tpu.memory_space<vmem>>) semaphore(%arg11 : memref<!tpu.dma_semaphore, #tpu.memory_space<semaphore_mem>>)
    %dma_start3A_85 = arith.constant 1 : i32
    %dma_start3A_86 = arith.constant 0 : i32
    %dma_start3A_87 = tpu.memref_slice %arg6[%dma_start3A_85, %dma_start3A_86] : memref<40x128xi32, #tpu.memory_space<vmem>> -> memref<1x128xi32, #tpu.memory_space<vmem>>
    %dma_start3A_88 = tpu.memref_squeeze %dma_start3A_87 : memref<1x128xi32, #tpu.memory_space<vmem>> -> memref<128xi32, #tpu.memory_space<vmem>>
    %dma_start3A_89 = arith.constant 0 : i32
    %dma_start3A_90 = arith.constant 0 : i32
    %dma_start3A_91 = tpu.memref_slice %arg2[%dma_start3A_89, %dma_start3A_90] : memref<10000x128xf32, #tpu.memory_space<hbm>> -> memref<10000x128xf32, #tpu.memory_space<hbm>>
    tpu.enqueue_indirect_dma source(%dma_start3A_91 : memref<10000x128xf32, #tpu.memory_space<hbm>>) target(%arg9 : memref<128x128xf32, #tpu.memory_space<vmem>>) offsets(%dma_start3A_88 : memref<128xi32, #tpu.memory_space<vmem>>) semaphore(%arg12 : memref<!tpu.dma_semaphore, #tpu.memory_space<semaphore_mem>>)
    %scan3A_92 = arith.constant 0 : i32
    %scan3A_93 = arith.constant 0 : i32
    %scan3A_94 = arith.constant 20 : i32
    %scan3A_95 = arith.addi %scan3A_93, %scan3A_94 : i32
    %scan3A_96 = arith.constant 1 : i32
    %scan3A_97 = scf.for %scan3A_104 = %scan3A_93 to %scan3A_95 step %scan3A_96 iter_args(%scan3A_105 = %scan3A_92) -> (i32)  : i32 {
      %mul3A_106 = arith.constant 2 : i32
      %mul3A_107 = arith.muli %mul3A_106, %scan3A_104 : i32
      %add3A_108 = arith.constant 1 : i32
      %add3A_109 = arith.addi %mul3A_107, %add3A_108 : i32
      %dma_wait3A_110 = arith.constant 0 : i32
      %dma_wait3A_111 = tpu.memref_slice %arg6[%mul3A_107, %dma_wait3A_110] : memref<40x128xi32, #tpu.memory_space<vmem>> -> memref<1x128xi32, #tpu.memory_space<vmem>>
      %dma_wait3A_112 = tpu.memref_squeeze %dma_wait3A_111 : memref<1x128xi32, #tpu.memory_space<vmem>> -> memref<128xi32, #tpu.memory_space<vmem>>
      %dma_wait3A_113 = arith.constant 0 : i32
      %dma_wait3A_114 = arith.constant 0 : i32
      %dma_wait3A_115 = tpu.memref_slice %arg2[%dma_wait3A_113, %dma_wait3A_114] : memref<10000x128xf32, #tpu.memory_space<hbm>> -> memref<10000x128xf32, #tpu.memory_space<hbm>>
      tpu.wait_indirect_dma semaphore(%arg11 : memref<!tpu.dma_semaphore, #tpu.memory_space<semaphore_mem>>) src(%dma_wait3A_115 : memref<10000x128xf32, #tpu.memory_space<hbm>>) dst(%arg8 : memref<128x128xf32, #tpu.memory_space<vmem>>)
      "tpu.region"() ({
        %run_scoped3A = tpu.sem_alloc : memref<!tpu.dma_semaphore, #tpu.memory_space<semaphore_mem>>
        %dma_start3A_134 = arith.constant 0 : i32
        %dma_start3A_135 = tpu.memref_slice %arg7[%mul3A_107, %dma_start3A_134] : memref<40x128xi32, #tpu.memory_space<vmem>> -> memref<1x128xi32, #tpu.memory_space<vmem>>
        %dma_start3A_136 = tpu.memref_squeeze %dma_start3A_135 : memref<1x128xi32, #tpu.memory_space<vmem>> -> memref<128xi32, #tpu.memory_space<vmem>>
        %dma_start3A_137 = arith.constant 0 : i32
        %dma_start3A_138 = arith.constant 0 : i32
        %dma_start3A_139 = tpu.memref_slice %arg10[%dma_start3A_137, %dma_start3A_138] : memref<10240x128xf32, #tpu.memory_space<vmem_shared>> -> memref<10240x128xf32, #tpu.memory_space<vmem_shared>>
        tpu.enqueue_indirect_dma source(%arg8 : memref<128x128xf32, #tpu.memory_space<vmem>>) target(%dma_start3A_139 : memref<10240x128xf32, #tpu.memory_space<vmem_shared>>) offsets(%dma_start3A_136 : memref<128xi32, #tpu.memory_space<vmem>>) semaphore(%run_scoped3A : memref<!tpu.dma_semaphore, #tpu.memory_space<semaphore_mem>>) {add = true}
        %dma_wait3A_140 = arith.constant 0 : i32
        %dma_wait3A_141 = tpu.memref_slice %arg7[%mul3A_107, %dma_wait3A_140] : memref<40x128xi32, #tpu.memory_space<vmem>> -> memref<1x128xi32, #tpu.memory_space<vmem>>
        %dma_wait3A_142 = tpu.memref_squeeze %dma_wait3A_141 : memref<1x128xi32, #tpu.memory_space<vmem>> -> memref<128xi32, #tpu.memory_space<vmem>>
        %dma_wait3A_143 = arith.constant 0 : i32
        %dma_wait3A_144 = arith.constant 0 : i32
        %dma_wait3A_145 = tpu.memref_slice %arg10[%dma_wait3A_143, %dma_wait3A_144] : memref<10240x128xf32, #tpu.memory_space<vmem_shared>> -> memref<10240x128xf32, #tpu.memory_space<vmem_shared>>
        tpu.wait_indirect_dma semaphore(%run_scoped3A : memref<!tpu.dma_semaphore, #tpu.memory_space<semaphore_mem>>) src(%arg8 : memref<128x128xf32, #tpu.memory_space<vmem>>) dst(%dma_wait3A_145 : memref<10240x128xf32, #tpu.memory_space<vmem_shared>>)
        tpu.yield
      }) : () -> ()
      %add3A_116 = arith.constant 2 : i32
      %add3A_117 = arith.addi %mul3A_107, %add3A_116 : i32
      %lt3A = arith.constant 40 : i32
      %lt3A_118 = arith.cmpi slt, %add3A_117, %lt3A : i32
      %convert_element_type3A = arith.extui %lt3A_118 : i1 to i32
      %cond3A = arith.constant 0 : i32
      %cond3A_119 = arith.cmpi ne, %convert_element_type3A, %cond3A : i32
      scf.if %cond3A_119 {
        %add3A_134 = arith.constant 2 : i32
        %add3A_135 = arith.addi %mul3A_107, %add3A_134 : i32
        %dma_start3A_136 = arith.constant 0 : i32
        %dma_start3A_137 = tpu.memref_slice %arg6[%add3A_135, %dma_start3A_136] : memref<40x128xi32, #tpu.memory_space<vmem>> -> memref<1x128xi32, #tpu.memory_space<vmem>>
        %dma_start3A_138 = tpu.memref_squeeze %dma_start3A_137 : memref<1x128xi32, #tpu.memory_space<vmem>> -> memref<128xi32, #tpu.memory_space<vmem>>
        %dma_start3A_139 = arith.constant 0 : i32
        %dma_start3A_140 = arith.constant 0 : i32
        %dma_start3A_141 = tpu.memref_slice %arg2[%dma_start3A_139, %dma_start3A_140] : memref<10000x128xf32, #tpu.memory_space<hbm>> -> memref<10000x128xf32, #tpu.memory_space<hbm>>
        tpu.enqueue_indirect_dma source(%dma_start3A_141 : memref<10000x128xf32, #tpu.memory_space<hbm>>) target(%arg8 : memref<128x128xf32, #tpu.memory_space<vmem>>) offsets(%dma_start3A_138 : memref<128xi32, #tpu.memory_space<vmem>>) semaphore(%arg11 : memref<!tpu.dma_semaphore, #tpu.memory_space<semaphore_mem>>)
      } else {
      }
      %dma_wait3A_120 = arith.constant 0 : i32
      %dma_wait3A_121 = tpu.memref_slice %arg6[%add3A_109, %dma_wait3A_120] : memref<40x128xi32, #tpu.memory_space<vmem>> -> memref<1x128xi32, #tpu.memory_space<vmem>>
      %dma_wait3A_122 = tpu.memref_squeeze %dma_wait3A_121 : memref<1x128xi32, #tpu.memory_space<vmem>> -> memref<128xi32, #tpu.memory_space<vmem>>
      %dma_wait3A_123 = arith.constant 0 : i32
      %dma_wait3A_124 = arith.constant 0 : i32
      %dma_wait3A_125 = tpu.memref_slice %arg2[%dma_wait3A_123, %dma_wait3A_124] : memref<10000x128xf32, #tpu.memory_space<hbm>> -> memref<10000x128xf32, #tpu.memory_space<hbm>>
      tpu.wait_indirect_dma semaphore(%arg12 : memref<!tpu.dma_semaphore, #tpu.memory_space<semaphore_mem>>) src(%dma_wait3A_125 : memref<10000x128xf32, #tpu.memory_space<hbm>>) dst(%arg9 : memref<128x128xf32, #tpu.memory_space<vmem>>)
      "tpu.region"() ({
        %run_scoped3A = tpu.sem_alloc : memref<!tpu.dma_semaphore, #tpu.memory_space<semaphore_mem>>
        %dma_start3A_134 = arith.constant 0 : i32
        %dma_start3A_135 = tpu.memref_slice %arg7[%add3A_109, %dma_start3A_134] : memref<40x128xi32, #tpu.memory_space<vmem>> -> memref<1x128xi32, #tpu.memory_space<vmem>>
        %dma_start3A_136 = tpu.memref_squeeze %dma_start3A_135 : memref<1x128xi32, #tpu.memory_space<vmem>> -> memref<128xi32, #tpu.memory_space<vmem>>
        %dma_start3A_137 = arith.constant 0 : i32
        %dma_start3A_138 = arith.constant 0 : i32
        %dma_start3A_139 = tpu.memref_slice %arg10[%dma_start3A_137, %dma_start3A_138] : memref<10240x128xf32, #tpu.memory_space<vmem_shared>> -> memref<10240x128xf32, #tpu.memory_space<vmem_shared>>
        tpu.enqueue_indirect_dma source(%arg9 : memref<128x128xf32, #tpu.memory_space<vmem>>) target(%dma_start3A_139 : memref<10240x128xf32, #tpu.memory_space<vmem_shared>>) offsets(%dma_start3A_136 : memref<128xi32, #tpu.memory_space<vmem>>) semaphore(%run_scoped3A : memref<!tpu.dma_semaphore, #tpu.memory_space<semaphore_mem>>) {add = true}
        %dma_wait3A_140 = arith.constant 0 : i32
        %dma_wait3A_141 = tpu.memref_slice %arg7[%add3A_109, %dma_wait3A_140] : memref<40x128xi32, #tpu.memory_space<vmem>> -> memref<1x128xi32, #tpu.memory_space<vmem>>
        %dma_wait3A_142 = tpu.memref_squeeze %dma_wait3A_141 : memref<1x128xi32, #tpu.memory_space<vmem>> -> memref<128xi32, #tpu.memory_space<vmem>>
        %dma_wait3A_143 = arith.constant 0 : i32
        %dma_wait3A_144 = arith.constant 0 : i32
        %dma_wait3A_145 = tpu.memref_slice %arg10[%dma_wait3A_143, %dma_wait3A_144] : memref<10240x128xf32, #tpu.memory_space<vmem_shared>> -> memref<10240x128xf32, #tpu.memory_space<vmem_shared>>
        tpu.wait_indirect_dma semaphore(%run_scoped3A : memref<!tpu.dma_semaphore, #tpu.memory_space<semaphore_mem>>) src(%arg9 : memref<128x128xf32, #tpu.memory_space<vmem>>) dst(%dma_wait3A_145 : memref<10240x128xf32, #tpu.memory_space<vmem_shared>>)
        tpu.yield
      }) : () -> ()
      %add3A_126 = arith.constant 2 : i32
      %add3A_127 = arith.addi %add3A_109, %add3A_126 : i32
      %lt3A_128 = arith.constant 40 : i32
      %lt3A_129 = arith.cmpi slt, %add3A_127, %lt3A_128 : i32
      %convert_element_type3A_130 = arith.extui %lt3A_129 : i1 to i32
      %cond3A_131 = arith.constant 0 : i32
      %cond3A_132 = arith.cmpi ne, %convert_element_type3A_130, %cond3A_131 : i32
      scf.if %cond3A_132 {
        %add3A_134 = arith.constant 2 : i32
        %add3A_135 = arith.addi %add3A_109, %add3A_134 : i32
        %dma_start3A_136 = arith.constant 0 : i32
        %dma_start3A_137 = tpu.memref_slice %arg6[%add3A_135, %dma_start3A_136] : memref<40x128xi32, #tpu.memory_space<vmem>> -> memref<1x128xi32, #tpu.memory_space<vmem>>
        %dma_start3A_138 = tpu.memref_squeeze %dma_start3A_137 : memref<1x128xi32, #tpu.memory_space<vmem>> -> memref<128xi32, #tpu.memory_space<vmem>>
        %dma_start3A_139 = arith.constant 0 : i32
        %dma_start3A_140 = arith.constant 0 : i32
        %dma_start3A_141 = tpu.memref_slice %arg2[%dma_start3A_139, %dma_start3A_140] : memref<10000x128xf32, #tpu.memory_space<hbm>> -> memref<10000x128xf32, #tpu.memory_space<hbm>>
        tpu.enqueue_indirect_dma source(%dma_start3A_141 : memref<10000x128xf32, #tpu.memory_space<hbm>>) target(%arg9 : memref<128x128xf32, #tpu.memory_space<vmem>>) offsets(%dma_start3A_138 : memref<128xi32, #tpu.memory_space<vmem>>) semaphore(%arg12 : memref<!tpu.dma_semaphore, #tpu.memory_space<semaphore_mem>>)
      } else {
      }
      %scan3A_133 = arith.constant 0 : i32
      scf.yield %scan3A_133 : i32
    }
    %scan3A_98 = arith.constant 20 : i32
    %barrier3A_99 = arith.constant 0 : index
    tpu.barrier barrier_id(%barrier3A_99)
    %mul3A_100 = arith.constant 640 : i32
    %mul3A_101 = arith.muli %arg1, %mul3A_100 : i32
    %mul3A_102 = arith.constant 640 : i32
    %mul3A_103 = arith.muli %arg1, %mul3A_102 : i32
    "tpu.region"() ({
      %run_scoped3A = tpu.sem_alloc : memref<!tpu.dma_semaphore, #tpu.memory_space<semaphore_mem>>
      %dma_start3A_104 = arith.constant 0 : i32
      %dma_start3A_105 = tpu.memref_slice %arg5[%arg0, %mul3A_103, %dma_start3A_104] : memref<2x10240x128xf32, #tpu.memory_space<hbm>> -> memref<1x640x128xf32, #tpu.memory_space<hbm>>
      %dma_start3A_106 = tpu.memref_squeeze %dma_start3A_105 : memref<1x640x128xf32, #tpu.memory_space<hbm>> -> memref<640x128xf32, #tpu.memory_space<hbm>>
      %dma_start3A_107 = arith.constant 0 : i32
      %dma_start3A_108 = tpu.memref_slice %arg10[%mul3A_101, %dma_start3A_107] : memref<10240x128xf32, #tpu.memory_space<vmem_shared>> -> memref<640x128xf32, #tpu.memory_space<vmem_shared>>
      tpu.enqueue_dma source(%dma_start3A_108 : memref<640x128xf32, #tpu.memory_space<vmem_shared>>) target(%dma_start3A_106 : memref<640x128xf32, #tpu.memory_space<hbm>>) target_semaphore(%run_scoped3A : memref<!tpu.dma_semaphore, #tpu.memory_space<semaphore_mem>>)
      %dma_wait3A_109 = arith.constant 0 : i32
      %dma_wait3A_110 = tpu.memref_slice %arg5[%arg0, %mul3A_103, %dma_wait3A_109] : memref<2x10240x128xf32, #tpu.memory_space<hbm>> -> memref<1x640x128xf32, #tpu.memory_space<hbm>>
      %dma_wait3A_111 = tpu.memref_squeeze %dma_wait3A_110 : memref<1x640x128xf32, #tpu.memory_space<hbm>> -> memref<640x128xf32, #tpu.memory_space<hbm>>
      %dma_wait3A_112 = arith.constant 0 : i32
      %dma_wait3A_113 = tpu.memref_slice %arg10[%mul3A_101, %dma_wait3A_112] : memref<10240x128xf32, #tpu.memory_space<vmem_shared>> -> memref<640x128xf32, #tpu.memory_space<vmem_shared>>
      tpu.wait_dma2 semaphore(%run_scoped3A : memref<!tpu.dma_semaphore, #tpu.memory_space<semaphore_mem>>) src(%dma_wait3A_113 : memref<640x128xf32, #tpu.memory_space<vmem_shared>>) dst(%dma_wait3A_111 : memref<640x128xf32, #tpu.memory_space<hbm>>)
      tpu.yield
    }) : () -> ()
    return
  }
}

module attributes {stable_mosaic.version = 14 : i64} {
  func.func @_mm_kernel(%arg0: i32, %arg1: memref<2x2000x128xf32, #tpu.memory_space<vmem>>, %arg2: memref<128x128xf32, #tpu.memory_space<vmem>>, %arg3: memref<1x128xf32, #tpu.memory_space<vmem>>, %arg4: memref<2000x128xf32, #tpu.memory_space<vmem>>) attributes {dimension_semantics = [#tpu.dimension_semantics<arbitrary>], iteration_bounds = array<i64: 5>, scalar_prefetch = 0 : i64, scratch_operands = 0 : i64, tpu.core_type = #tpu.core_type<tc>, window_params = [{transform_indices = @transform_0, window_bounds = array<i64: 2, 2000, 128>}, {pipeline_mode = #tpu.pipeline_mode<synchronous>, transform_indices = @transform_1, window_bounds = array<i64: 128, 128>}, {pipeline_mode = #tpu.pipeline_mode<synchronous>, transform_indices = @transform_2, window_bounds = array<i64: 1, 128>}, {transform_indices = @transform_3, window_bounds = array<i64: 2000, 128>}]} {
    %get3A = arith.constant 0 : index
    %get3A_0 = arith.constant 0 : index
    %get3A_1 = arith.constant 0 : index
    %get3A_2 = vector.load %arg1[%get3A, %get3A_0, %get3A_1] : memref<2x2000x128xf32, #tpu.memory_space<vmem>>, vector<1x2000x128xf32>
    %get3A_3 = vector.shape_cast %get3A_2 : vector<1x2000x128xf32> to vector<2000x128xf32>
    %get3A_4 = arith.constant 1 : index
    %get3A_5 = arith.constant 0 : index
    %get3A_6 = arith.constant 0 : index
    %get3A_7 = vector.load %arg1[%get3A_4, %get3A_5, %get3A_6] : memref<2x2000x128xf32, #tpu.memory_space<vmem>>, vector<1x2000x128xf32>
    %get3A_8 = vector.shape_cast %get3A_7 : vector<1x2000x128xf32> to vector<2000x128xf32>
    %add3A = arith.addf %get3A_3, %get3A_8 : vector<2000x128xf32>
    %get3A_9 = arith.constant 0 : index
    %get3A_10 = arith.constant 0 : index
    %get3A_11 = vector.load %arg2[%get3A_9, %get3A_10] : memref<128x128xf32, #tpu.memory_space<vmem>>, vector<128x128xf32>
    %dot_general3A = arith.constant dense<0.000000e+00> : vector<2000x128xf32>
    %dot_general3A_12 = tpu.matmul %add3A, %get3A_11, %dot_general3A {dimension_numbers = #tpu.dot_dimension_numbers<[1], [0], [0], [1], [0, 0, 1, 1], [], []>, transpose_lhs_hint = false} : vector<2000x128xf32>, vector<128x128xf32>, vector<2000x128xf32> -> vector<2000x128xf32>
    %get3A_13 = arith.constant 0 : index
    %get3A_14 = arith.constant 0 : index
    %get3A_15 = vector.load %arg3[%get3A_13, %get3A_14] : memref<1x128xf32, #tpu.memory_space<vmem>>, vector<1x128xf32>
    %add3A_16 = vector.broadcast %get3A_15 : vector<1x128xf32> to vector<2000x128xf32>
    %add3A_17 = arith.addf %dot_general3A_12, %add3A_16 : vector<2000x128xf32>
    %swap3A = arith.constant 0 : index
    %swap3A_18 = arith.constant 0 : index
    %swap3A_19 = vector.load %arg4[%swap3A, %swap3A_18] : memref<2000x128xf32, #tpu.memory_space<vmem>>, vector<2000x128xf32>
    tpu.vector_store %arg4[%swap3A, %swap3A_18], %add3A_17 {strides = array<i32>} : memref<2000x128xf32, #tpu.memory_space<vmem>>, vector<2000x128xf32>,
    return
  }
  func.func @transform_0(%arg0: i32) -> (i32, i32, i32) {
    %c0_i32 = arith.constant 0 : i32
    %c0_i32_0 = arith.constant 0 : i32
    %c0_i32_1 = arith.constant 0 : i32
    return %c0_i32, %arg0, %c0_i32_0 : i32, i32, i32
  }
  func.func @transform_1(%arg0: i32) -> (i32, i32) {
    %c0_i32 = arith.constant 0 : i32
    %c0_i32_0 = arith.constant 0 : i32
    %c0_i32_1 = arith.constant 0 : i32
    return %c0_i32, %c0_i32_0 : i32, i32
  }
  func.func @transform_2(%arg0: i32) -> (i32, i32) {
    %c0_i32 = arith.constant 0 : i32
    %c0_i32_0 = arith.constant 0 : i32
    %c0_i32_1 = arith.constant 0 : i32
    return %c0_i32, %c0_i32_0 : i32, i32
  }
  func.func @transform_3(%arg0: i32) -> (i32, i32) {
    %c0_i32 = arith.constant 0 : i32
    %c0_i32_0 = arith.constant 0 : i32
    return %arg0, %c0_i32 : i32, i32
  }
}

</mosaic_0001>

<sc_bundles>
// kernel: kernel.4.cloned.1.call-start
scs
__scs_entry_jumppad:
0x0: {  	(pc) =	sbr.rel $0x88, $3  }
0x1: {  	(tag) =	ssettag $0x0;
	lr =	simm.s32 $0x1  }
0x2: {  	[smem:$0x3F9D] =	sst lr;
	_ =	strace $0xD0000000  }
0x3: {  	_ = 	snop  }
0x4: {  	_ = 	snop  }
0x5: {  	_ = 	snop  }
0x6: {  	_ = 	snop  }
0x7: {  	_ = 	snop  }
__scs_overlays_trampoline_lowered:
0x8: {  	[smem:$0x3FAC] =	sst s0  }
0x9: {  	[smem:$0x3FAD] =	sst s1  }
0xa: {  	[smem:$0x3FAE] =	sst s2  }
0xb: {  	[smem:$0x3FAF] =	sst s3  }
0xc: {  	[smem:$0x3FB0] =	sst s4  }
0xd: {  	[smem:$0x3FB1] =	sst s5  }
0xe: {  	[smem:$0x3FB2] =	sst s6  }
0xf: {  	[smem:$0x3FB3] =	sst s7  }
0x10: {  	[smem:$0x3FB4] =	sst s8  }
0x11: {  	[smem:$0x3FB5] =	sst s9;
	s0 =	simm.s32 @!p0 $0x0  }
0x12: {  	s1 =	sld [smem:$0x3F9B];
	s0 =	simm.s32 @p0 $0x1  }
0x13: {  	[smem:$0x3FB6] =	sst s0;
	s0 =	simm.s32 @!p1 $0x0  }
0x14: {  	s2 =	sld [smem:$0x3F9A];
	s0 =	simm.s32 @p1 $0x1  }
0x15: {  	[smem:$0x3FB7] =	sst s0;
	s0 =	simm.s32 @!p2 $0x0  }
0x16: {  	s3 =	sld [smem:$0x3FDB];
	s0 =	simm.s32 @p2 $0x1  }
0x17: {  	s4 =	simm.s32 $0x1BF5;
	[smem:$0x3FB9] =	sst s0  }
0x18: {  	s0 =	sld [smem:$0x3F9C];
	_ =	swait.ge [sflag:s4], $0x0  }
0x19: {  	s7 =	sld [smem:$0x3F9D]  }
0x1a: {  	s8 =	sadd.s32 $0xFFFFE003, lr  }
0x1b: {  	s9 =	sadd.s32 $0xFFFFFEF7, lr;
	s5 =	simm.s32 $0xFFFFFFFF;
	p2 =	slt.u32 s8, $0xFFFFF086  }
0x1c: {  	p1 =	slt.u32 s9, $0xF7A;
	s5 =	simm.s32 @!p2 $0x0  }
0x1d: {  	s5 =	simm.s32 @p1 $0x1;
	p0 =	seq.s32 s7, s2  }
0x1e: {  	s7 =	smul.u32 @!p0 $0xF7A, s2;
	p2 =	seq.s32 @!p0 s5, $0x0  }
0x1f: {  	s9 =	smul.u32 $0xF7A, s1;
	s8 =	simm.s32 @!p0 $0x1BF5;
	p2 =	por !p2, p0  }
0x20: {  	[sflag:s8] =	ssyncset.s32 @!p0 $0xFFFFF086;
	s6 =	sadd.s32 @!p0 s3, s7;
	s7 =	simm.s32 @!p0 $0x108  }
0x21: {  	s3 =	sadd.s32 s3, s9;
	s6 =	sadd.s32 @!p0 $0x88, s6;
	s7 =	simm.s32 @p2 $0x1082  }
0x22: {  	[simem:s7], [sflag:s8] =	dma.local @!p0 [hbm:s6], $0xF7A  }
0x23: {  	s9 =	sor.u32 $0xD0000000, s2;
	s6 =	simm.s32 $0x108;
	_ =	swait.ge @!p0 [sflag:s8], $0x0  }
0x24: {  	s3 =	sadd.s32 $0x88, s3;
	s6 =	simm.s32 @!p1 $0x1082;
	[sflag:s4] =	ssyncset.s32 $0xFFFFF086  }
0x25: {  	[simem:s6], [sflag:s4] =	dma.local [hbm:s3], $0xF7A  }
0x26: {  	[smem:$0x3F9D] =	sst s1;
	(tag) =	ssettag s2;
	_ =	strace s9  }
0x27: {  	s1 =	sld [smem:$0x3FAD]  }
0x28: {  	s2 =	sld [smem:$0x3FAE]  }
0x29: {  	s4 =	sld [smem:$0x3FB0]  }
0x2a: {  	p0 =	seq.s32 s5, $0x0;
	s5 =	sld [smem:$0x3FB1]  }
0x2b: {  	s6 =	sld [smem:$0x3FB2]  }
0x2c: {  	s7 =	sld [smem:$0x3FB3]  }
0x2d: {  	s3 =	simm.s32 $0x108;
	s8 =	sld [smem:$0x3FB4]  }
0x2e: {  	s3 =	simm.s32 @!p0 $0x1082;
	s9 =	sld [smem:$0x3FB5]  }
0x2f: {  	lr =	sadd.s32 s0, s3;
	s0 =	sld [smem:$0x3FAC]  }
0x30: {  	s3 =	sld [smem:$0x3FAF]  }
0x31: {  	[smem:$0x3FB8] =	sst s10  }
0x32: {  	s10 =	sld [smem:$0x3FB6];
	_ =	sdelay $0x3  }
0x33: {  	p0 =	seq.s32 s10, $0x1;
	s10 =	sld [smem:$0x3FB8];
	_ =	sdelay $0x3  }
0x34: {  	[smem:$0x3FB8] =	sst s10  }
0x35: {  	s10 =	sld [smem:$0x3FB7];
	_ =	sdelay $0x3  }
0x36: {  	p1 =	seq.s32 s10, $0x1;
	s10 =	sld [smem:$0x3FB8];
	_ =	sdelay $0x3  }
0x37: {  	[smem:$0x3FB8] =	sst s10  }
0x38: {  	s10 =	sld [smem:$0x3FB9]  }
0x39: {  	_ = 	snop;
	(pc) =	sbr.ind lr, $3  }
0x3a: {  	_ = 	snop  }
0x3b: {  	_ = 	snop  }
0x3c: {  	p2 =	seq.s32 s10, $0x1;
	s10 =	sld [smem:$0x3FB8]  }
0x3d: {  	_ =	shalt  }
0x3e: {  	_ =	shalt  }
0x3f: {  	_ =	shalt  }
0x40: {  	_ =	shalt  }
0x41: {  	_ =	shalt  }
0x42: {  	_ =	shalt  }
0x43: {  	_ =	shalt  }
0x44: {  	_ =	shalt  }
0x45: {  	_ =	shalt  }
0x46: {  	_ =	shalt  }
0x47: {  	_ =	shalt  }
0x48: {  	_ =	shalt  }
0x49: {  	_ =	shalt  }
0x4a: {  	_ =	shalt  }
0x4b: {  	_ =	shalt  }
0x4c: {  	_ =	shalt  }
0x4d: {  	_ =	shalt  }
0x4e: {  	_ =	shalt  }
0x4f: {  	_ =	shalt  }
0x50: {  	_ =	shalt  }
0x51: {  	_ =	shalt  }
0x52: {  	_ =	shalt  }
0x53: {  	_ =	shalt  }
0x54: {  	_ =	shalt  }
0x55: {  	_ =	shalt  }
0x56: {  	_ =	shalt  }
0x57: {  	_ =	shalt  }
0x58: {  	_ =	shalt  }
0x59: {  	_ =	shalt  }
0x5a: {  	_ =	shalt  }
0x5b: {  	_ =	shalt  }
0x5c: {  	_ =	shalt  }
0x5d: {  	_ =	shalt  }
0x5e: {  	_ =	shalt  }
0x5f: {  	_ =	shalt  }
0x60: {  	_ =	shalt  }
0x61: {  	_ =	shalt  }
0x62: {  	_ =	shalt  }
0x63: {  	_ =	shalt  }
0x64: {  	_ =	shalt  }
0x65: {  	_ =	shalt  }
0x66: {  	_ =	shalt  }
0x67: {  	_ =	shalt  }
0x68: {  	_ =	shalt  }
0x69: {  	_ =	shalt  }
0x6a: {  	_ =	shalt  }
0x6b: {  	_ =	shalt  }
0x6c: {  	_ =	shalt  }
0x6d: {  	_ =	shalt  }
0x6e: {  	_ =	shalt  }
0x6f: {  	_ =	shalt  }
0x70: {  	_ =	shalt  }
0x71: {  	_ =	shalt  }
0x72: {  	_ =	shalt  }
0x73: {  	_ =	shalt  }
0x74: {  	_ =	shalt  }
0x75: {  	_ =	shalt  }
0x76: {  	_ =	shalt  }
0x77: {  	_ =	shalt  }
0x78: {  	_ =	shalt  }
0x79: {  	_ =	shalt  }
0x7a: {  	_ =	shalt  }
0x7b: {  	_ =	shalt  }
0x7c: {  	_ =	shalt  }
0x7d: {  	_ =	shalt  }
0x7e: {  	_ =	shalt  }
0x7f: {  	_ =	shalt  }
0x80: {  	_ =	shalt  }
0x81: {  	_ =	shalt  }
0x82: {  	_ =	shalt  }
0x83: {  	_ =	shalt  }
0x84: {  	_ =	shalt  }
0x85: {  	_ =	shalt  }
0x86: {  	_ =	shalt  }
0x87: {  	_ =	shalt  }
.Lfunc_end0:
.L_simem_size_0:
called_computation_lowered:
.L_overlay_start_0:
0x88: {  	s2 =	sld [smem:$0x3FD9]  }
0x89: {  	s3 =	sld [smem:$0x3FFE];
	_ =	sdelay $0x1  }
0x8a: {  	s1 =	srdreg.scid  }
0x8b: {  	s0 =	sand.u32 $0x1, s1  }
0x8c: {  	s17 =	sshll.u32 s0, $0xA;
	s2 =	sadd.s32 s3, s2  }
0x8d: {  	s2 =	sadd.s32 s2, s17  }
0x8e: {  	[smem:$0x3FC4] =	sst s2  }
0x8f: {  	_ = 	snop  }
0x90: {  	s2 =	sld [smem:$0x3FC9]  }
0x91: {  	s18 =	sld [smem:$0x3FD0];
	(tm) =	ssettm $0x1  }
0x92: {  	s4 =	sld [smem:$0x3FFB];
	_ =	sdelay $0x3  }
0x93: {  	_ =	strace s4  }
0x94: {  	s4 =	sld [smem:$0x3FFC];
	_ =	sdelay $0x3  }
0x95: {  	_ =	strace s4  }
0x96: {  	s4 =	sld [smem:$0x3FFD];
	_ =	sdelay $0x3  }
0x97: {  	_ =	strace s4  }
0x98: {  	_ =	strace $0x8FFFFFFF  }
0x99: {  	s19 =	sld [smem:$0x3FDB];
	_ =	sdelay $0x1  }
0x9a: {  	s5 =	simm.s32 $_scs_section_size  }
0x9b: {  	s6 =	simm.s32 $_size__tile_overlayer_lowered;
	s7 =	simm.s32 $_tile_overlayer_lowered  }
0x9c: {  	s22 =	simm.s32 $0x1BFF;
	s21 =	sshll.u32 s7, $0x1;
	s4 =	sadd.s32 s5, s19  }
0x9d: {  	s8 =	simm.s32 $0x0;
	s20 =	sshll.u32 s6, $0x1;
	s6 =	sadd.s32 s21, s4  }
0x9e: {  	[timem:s8], [sflag:s22] =	dma.local [hbm:s6], s20  }
0x9f: {  	_ =	swait.ge [sflag:s22], s20  }
0xa0: {  	s5 =	ssub.s32 $0x0, s20;
	[sflag:s22] =	ssyncset.done $0x0  }
0xa1: {  	[sflag:s22] =	ssyncadd.s32 s5;
	_ =	sdelay $0x1  }
0xa2: {  	s23 =	simm.s32 $0x1B8B  }
0xa3: {  	_ =	swait.ge [sflag:s23], $0x1  }
0xa4: {  	[sflag:s23] =	ssyncset.done $0x0  }
0xa5: {  	s25 =	simm.s32 $0x1B8E;
	s24 =	sld [smem:$0x3FFE];
	[sflag:s23] =	ssyncadd.s32 $0xFFFFFFFF  }
0xa6: {  	s26 =	simm.s32 $execute0_lowered;
	[smem:$0x3FD2] =	sst s25  }
0xa7: {  	s6 =	sshll.u32 s26, $0x1;
	_ =	strace $0x80000046;
	[dreg:$0x1] =	wrdreg $0xFFFFFFFF  }
0xa8: {  	s28 =	simm.s32 $_size_execute0_lowered;
	s4 =	sadd.s32 s4, s6;
	[dreg:$0x0] =	wrdreg $0x0  }
0xa9: {  	s6 =	sshll.u32 s28, $0x1;
	[dreg:$0x2] =	wrdreg s4  }
0xaa: {  	[dreg:$0x3] =	wrdreg s6  }
0xab: {  	[dreg:$0x4] =	wrdreg $0xC0  }
0xac: {  	_ =	task [dreg:s8], $0x5FFFF  }
0xad: {  	[dreg:$0x1] =	wrdreg $0xFFFFFFFF  }
0xae: {  	[dreg:$0x0] =	wrdreg $0x60  }
0xaf: {  	[dreg:$0x2] =	wrdreg s2  }
0xb0: {  	[dreg:$0x3] =	wrdreg s18  }
0xb1: {  	[dreg:$0x4] =	wrdreg s24  }
0xb2: {  	[dreg:$0x5] =	wrdreg $0xA8000  }
0xb3: {  	[dreg:$0x6] =	wrdreg $0x9  }
0xb4: {  	_ =	task.clear_ibuf [dreg:s8], $0x7FFFF;
	_ =	strace $0x90000046  }
0xb5: {  	s29 =	simm.s32 $0x9;
	_ =	strace $0x80000048  }
0xb6: {  	_ =	swait.ge [sflag:s29], $0x1  }
0xb7: {  	[sflag:s29] =	ssyncadd.s32 $0xFFFFFFFF  }
0xb8: {  	_ =	strace $0x90000048  }
0xb9: {  	_ =	sfence  }
0xba: {  	s30 =	sld [smem:$0x0];
	_ =	sdelay $0x2  }
0xbb: {  	s31 =	sshll.u32 s1, $0xD;
	s1 =	sshrl.u32 s1, $0x2  }
0xbc: {  	s3 =	sand.u32 $0x4000, s31;
	s1 =	sadd.s32 s1, s30  }
0xbd: {  	s0 =	sor.u32 s3, s0;
	s1 =	sshll.u32 s1, $0x11  }
0xbe: {  	s0 =	sor.u32 s1, s0  }
0xbf: {  	s0 =	sadd.s32 $0x8F2B, s0  }
0xc0: {  	[sflag:s0] =	ssyncadd.remote.s32 $0x1  }
0xc1: {  	_ =	sfence.sel $0xFFFF  }
0xc2: {  	[dreg:$0x0] =	wrdreg $0xFFFFFFFF;
	(pc) =	sbr.abs _section_cstart, $3  }
0xc3: {  	[dreg:$0x1] =	wrdreg $0xFFFFFFFF  }
0xc4: {  	_ =	task.clear_ibuf [dreg:s8], $0x2FFFF;
	_ =	strace $0x9FFFFFFF  }
0xc5: {  	(tm) =	ssettm $0x7FFFFFFF  }
tec
execute0_lowered:
.L_overlay_start_1:
0x0: {  	(tag) =	ssettag $0x1  }
0x1: {  	s1 =	rddreg [dreg:$0x0]  }
0x2: {  	s12 =	rddreg [dreg:$0x1]  }
0x3: {  	s5 =	rddreg [dreg:$0x2]  }
0x4: {  	s2 =	rddreg [dreg:$0x3]  }
0x5: {  	s3 =	srdreg.scid;
	s0 =	rddreg [dreg:$0x4]  }
0x6: {  	s4 =	simm.s32 $0x0;
	s17 =	simm.s32 $0x2800;
	s18 =	simm.s32 $0x3  }
0x7: {  	s19 =	simm.s32 $0x1;
	s20 =	simm.s32 $0x2;
	s21 =	simm.s32 $0x80  }
0x8: {  	s22 =	simm.s32 $0x6800;
	s23 =	simm.s32 $0x2700;
	s24 =	simm.s32 $0x2780  }
0x9: {  	s25 =	simm.s32 $0x0;
	s6 =	sand.u32 $0x1, s3;
	s3 =	stileid.u32  }
0xa: {  	[smem:$0x7FF] =	sst s4;
	s13 =	sadd.s32 $0x400, s5;
	s7 =	smul.u32 $0x140000, s6  }
0xb: {  	s8 =	smul.u32 $0x14000, s3;
	_ =	strace $0x80000047;
	s9 =	sshll.u32 s6, $0x4  }
0xc: {  	s29 =	smul.u32 $0x50000, s3;
	s6 =	ssub.s32 $0x2, s6;
	s28 =	sor.u32 s3, s9  }
0xd: {  	s30 =	sshrl.u32 s6, $0x1;
	s7 =	sadd.s32 s8, s7;
	s8 =	smul.u32 $0x2800, s28  }
0xe: {  	s31 =	sshrl.u32 s29, $0x2;
	s15 =	ssub.s32 s6, s30;
	s7 =	sshrl.u32 s7, $0x3  }
0xf: {  	s15 =	smax.u32 s15, $0x1;
	s14 =	sadd.s32 s7, s5;
	s11 =	sshrl.u32 s8, $0x3  }
0x10: {  	s5 =	sadd.s32 s31, s2;
	s6 =	sadd.s32 s12, s11;
	s7 =	sadd.s32 s13, s11  }
0x11: {  	s8 =	sadd.s32 $0x4000, s5;
	s9 =	sadd.s32 $0x8000, s5;
	s10 =	sadd.s32 $0xC000, s5  }
0x12: {  	s16 =	sadd.s32 $0x280, s11;
	s11 =	sadd.s32 $0x10000, s5;
	s14 =	sadd.s32 $0xA400, s14  }
0x13: {  	v0 =	vimm.f32 $0.0e+00;
	s12 =	sadd.s32 s12, s16;
	s13 =	sadd.s32 s13, s16;
	s16 =	simm.s32 $0x1400  }
.LBB2_1:
0x14: {  	[tilespmem:s4], [sflag:$0x1] =	stream.linear.gather [hbm4b:s6+s4], $0x1400, $0x38;
	[tilespmem:$0x1E800] =	vst v63  }
0x15: {  	s26 =	simm.s32 $0x0;
	s28 =	simm.s32 $0x200  }
0x16: {  	[tilespmem:s16], [sflag:$0x2] =	stream.linear.gather [hbm4b:s7+s4], $0x1400, $0x38;
	[tilespmem:$0x1E800] =	vst v63  }
.LBB2_2:
0x17: {  	p0 =	sne.s32 s28, $0xFE00;
	[tilespmem:s26+$0x2870] =	vst v0  }
0x18: {  	[tilespmem:s26+$0x2800] =	vst v0  }
0x19: {  	[tilespmem:s26+$0x2810] =	vst v0  }
.Ltmp0:
0x1a: {  	[tilespmem:s26+$0x2820] =	vst v0;
	(pc) =	sbr.rel @p0 .LBB2_2-.Ltmp0, $4  }
0x1b: {  	[tilespmem:s26+$0x2830] =	vst v0  }
0x1c: {  	[tilespmem:s26+$0x2840] =	vst v0  }
0x1d: {  	[tilespmem:s26+$0x2850] =	vst v0  }
0x1e: {  	[tilespmem:s26+$0x2860] =	vst v0;
	s26 =	sshra.s32 s28, $0x2;
	s28 =	sadd.s32 $0x200, s28  }
0x1f: {  	[tilespmem:s26+$0x2870] =	vst v0  }
0x20: {  	[tilespmem:s26+$0x2800] =	vst v0  }
0x21: {  	[tilespmem:s26+$0x2810] =	vst v0  }
0x22: {  	[tilespmem:s26+$0x2820] =	vst v0  }
0x23: {  	[tilespmem:s26+$0x2830] =	vst v0  }
0x24: {  	[tilespmem:s26+$0x2840] =	vst v0  }
0x25: {  	[tilespmem:s26+$0x2850] =	vst v0  }
0x26: {  	[tilespmem:s26+$0x2860] =	vst v0  }
0x27: {  	[spmem:s5] =	stream.linear.scatter [tilespmem:s17], [sflag:$0x3], $0x4000, $0x38;
	[tilespmem:$0x1E800] =	vst v63  }
0x28: {  	_ =	swait.ge [sflag:s18], $0x4000  }
0x29: {  	[sflag:s18] =	ssyncset.done $0x0  }
0x2a: {  	[sflag:s18] =	ssyncadd.s32 $0xFFFFC000  }
0x2b: {  	[spmem:s8] =	stream.linear.scatter [tilespmem:s17], [sflag:$0x3], $0x4000, $0x38;
	[tilespmem:$0x1E800] =	vst v63  }
0x2c: {  	_ =	swait.ge [sflag:s18], $0x4000  }
0x2d: {  	[sflag:s18] =	ssyncset.done $0x0  }
0x2e: {  	[sflag:s18] =	ssyncadd.s32 $0xFFFFC000  }
0x2f: {  	[spmem:s9] =	stream.linear.scatter [tilespmem:s17], [sflag:$0x3], $0x4000, $0x38;
	[tilespmem:$0x1E800] =	vst v63  }
0x30: {  	_ =	swait.ge [sflag:s18], $0x4000  }
0x31: {  	[sflag:s18] =	ssyncset.done $0x0  }
0x32: {  	[sflag:s18] =	ssyncadd.s32 $0xFFFFC000  }
0x33: {  	[spmem:s10] =	stream.linear.scatter [tilespmem:s17], [sflag:$0x3], $0x4000, $0x38;
	[tilespmem:$0x1E800] =	vst v63  }
0x34: {  	_ =	swait.ge [sflag:s18], $0x4000  }
0x35: {  	[sflag:s18] =	ssyncset.done $0x0  }
0x36: {  	[sflag:s18] =	ssyncadd.s32 $0xFFFFC000  }
0x37: {  	[spmem:s11] =	stream.linear.scatter [tilespmem:s17], [sflag:$0x3], $0x4000, $0x38;
	[tilespmem:$0x1E800] =	vst v63  }
0x38: {  	_ =	swait.ge [sflag:s18], $0x4000  }
0x39: {  	[sflag:s18] =	ssyncset.done $0x0  }
0x3a: {  	[sflag:s18] =	ssyncadd.s32 $0xFFFFC000  }
0x3b: {  	_ =	swait.ge [sflag:s19], $0x1400  }
0x3c: {  	[sflag:s19] =	ssyncset.done $0x0  }
0x3d: {  	[sflag:s19] =	ssyncadd.s32 $0xFFFFEC00  }
0x3e: {  	_ =	swait.ge [sflag:s20], $0x1400  }
0x3f: {  	[sflag:s20] =	ssyncset.done $0x0  }
0x40: {  	[sflag:s20] =	ssyncadd.s32 $0xFFFFEC00  }
0x41: {  	s31 =	simm.s32 $0x0;
	[bflag:$0x0] =	sbarrier.arrive $0xFFFF  }
0x42: {  	[tilespmem:s17], [sflag:$0x1] =	stream.indirect.gather [hbm4b:s1+s21], $0x80, s31, s21, $0xb8;
	[tilespmem:$0x1E800] =	vst v63  }
0x43: {  	_ = 	snop  }
0x44: {  	[tilespmem:s22], [sflag:$0x2] =	stream.indirect.gather [hbm4b:s1+s21], $0x80, s21, s21, $0xb8;
	[tilespmem:$0x1E800] =	vst v63  }
0x45: {  	_ =	swait.ge [sflag:s19], $0x4000  }
0x46: {  	[sflag:s19] =	ssyncset.done $0x0  }
0x47: {  	s29 =	simm.s32 $0x1400;
	[sflag:s19] =	ssyncadd.s32 $0xFFFFC000  }
0x48: {  	[spmem:s2] =	stream.indirect.scatter.add.f32 [tilespmem:s17], [sflag:$0x3], $0x80, s29, s21, $0xb8;
	[tilespmem:$0x1E800] =	vst v63  }
0x49: {  	_ =	swait.ge [sflag:s18], $0x4000  }
0x4a: {  	[sflag:s18] =	ssyncset.done $0x0  }
0x4b: {  	s30 =	simm.s32 $0x100;
	[sflag:s18] =	ssyncadd.s32 $0xFFFFC000  }
0x4c: {  	[tilespmem:s17], [sflag:$0x1] =	stream.indirect.gather [hbm4b:s1+s21], $0x80, s30, s21, $0xb8;
	[tilespmem:$0x1E800] =	vst v63  }
0x4d: {  	_ =	swait.ge [sflag:s20], $0x4000  }
0x4e: {  	[sflag:s20] =	ssyncset.done $0x0  }
0x4f: {  	s31 =	simm.s32 $0x1480;
	[sflag:s20] =	ssyncadd.s32 $0xFFFFC000  }
0x50: {  	[spmem:s2] =	stream.indirect.scatter.add.f32 [tilespmem:s22], [sflag:$0x3], $0x80, s31, s21, $0xb8;
	[tilespmem:$0x1E800] =	vst v63  }
0x51: {  	_ =	swait.ge [sflag:s18], $0x4000  }
0x52: {  	[sflag:s18] =	ssyncset.done $0x0  }
0x53: {  	s26 =	simm.s32 $0x400;
	s28 =	simm.s32 $0x180;
	[sflag:s18] =	ssyncadd.s32 $0xFFFFC000  }
.LBB2_4:
0x54: {  	[tilespmem:s22], [sflag:$0x2] =	stream.indirect.gather [hbm4b:s1+s21], $0x80, s28, s21, $0xb8;
	[tilespmem:$0x1E800] =	vst v63  }
0x55: {  	s28 =	smov.u32 s26  }
0x56: {  	p0 =	sne.s32 s26, $0x4800;
	s26 =	sadd.s32 $0x400, s26;
	_ =	swait.ge [sflag:s19], $0x4000  }
0x57: {  	s28 =	sshra.s32 s28, $0x2;
	[sflag:s19] =	ssyncset.done $0x0  }
0x58: {  	s29 =	sadd.s32 $0x1400, s28;
	[sflag:s19] =	ssyncadd.s32 $0xFFFFC000  }
0x59: {  	[spmem:s2] =	stream.indirect.scatter.add.f32 [tilespmem:s17], [sflag:$0x3], $0x80, s29, s21, $0xb8;
	[tilespmem:$0x1E800] =	vst v63  }
0x5a: {  	_ =	swait.ge [sflag:s18], $0x4000  }
0x5b: {  	[sflag:s18] =	ssyncset.done $0x0  }
0x5c: {  	s29 =	sadd.s32 $0x100, s28;
	[sflag:s18] =	ssyncadd.s32 $0xFFFFC000  }
0x5d: {  	[tilespmem:s17], [sflag:$0x1] =	stream.indirect.gather [hbm4b:s1+s21], $0x80, s29, s21, $0xb8;
	[tilespmem:$0x1E800] =	vst v63  }
0x5e: {  	_ =	swait.ge [sflag:s20], $0x4000  }
0x5f: {  	[sflag:s20] =	ssyncset.done $0x0  }
.Ltmp1:
0x60: {  	s29 =	sadd.s32 $0x1480, s28;
	[sflag:s20] =	ssyncadd.s32 $0xFFFFC000;
	(pc) =	sbr.rel @p0 .LBB2_4-.Ltmp1, $4  }
0x61: {  	[spmem:s2] =	stream.indirect.scatter.add.f32 [tilespmem:s22], [sflag:$0x3], $0x80, s29, s21, $0xb8;
	[tilespmem:$0x1E800] =	vst v63  }
0x62: {  	_ =	swait.ge [sflag:s18], $0x4000  }
0x63: {  	[sflag:s18] =	ssyncset.done $0x0  }
0x64: {  	s28 =	sadd.s32 $0x180, s28;
	[sflag:s18] =	ssyncadd.s32 $0xFFFFC000  }
0x65: {  	[tilespmem:s22], [sflag:$0x2] =	stream.indirect.gather [hbm4b:s1+s21], $0x80, s28, s21, $0xb8;
	[tilespmem:$0x1E800] =	vst v63  }
0x66: {  	_ =	swait.ge [sflag:s19], $0x4000  }
0x67: {  	[sflag:s19] =	ssyncset.done $0x0  }
0x68: {  	[sflag:s19] =	ssyncadd.s32 $0xFFFFC000  }
0x69: {  	[spmem:s2] =	stream.indirect.scatter.add.f32 [tilespmem:s17], [sflag:$0x3], $0x80, s23, s21, $0xb8;
	[tilespmem:$0x1E800] =	vst v63  }
0x6a: {  	_ =	swait.ge [sflag:s18], $0x4000  }
0x6b: {  	[sflag:s18] =	ssyncset.done $0x0  }
0x6c: {  	[sflag:s18] =	ssyncadd.s32 $0xFFFFC000  }
0x6d: {  	_ =	swait.ge [sflag:s20], $0x4000  }
0x6e: {  	[sflag:s20] =	ssyncset.done $0x0  }
0x6f: {  	[sflag:s20] =	ssyncadd.s32 $0xFFFFC000  }
0x70: {  	[spmem:s2] =	stream.indirect.scatter.add.f32 [tilespmem:s22], [sflag:$0x3], $0x80, s24, s21, $0xb8;
	[tilespmem:$0x1E800] =	vst v63  }
0x71: {  	_ =	swait.ge [sflag:s18], $0x4000  }
0x72: {  	[sflag:s18] =	ssyncset.done $0x0  }
0x73: {  	s26 =	simm.s32 $0x0;
	[sflag:s18] =	ssyncadd.s32 $0xFFFFC000  }
0x74: {  	[tilespmem:s26], [sflag:$0x3] =	stream.linear.gather [hbm4b:s12+s26], $0x1400, $0x38;
	[tilespmem:$0x1E800] =	vst v63  }
0x75: {  	_ =	swait.ge [sflag:s18], $0x1400  }
0x76: {  	[sflag:s18] =	ssyncset.done $0x0  }
0x77: {  	[sflag:s18] =	ssyncadd.s32 $0xFFFFEC00  }
0x78: {  	[tilespmem:s16], [sflag:$0x3] =	stream.linear.gather [hbm4b:s13+s26], $0x1400, $0x38;
	[tilespmem:$0x1E800] =	vst v63  }
0x79: {  	_ =	swait.ge [sflag:s18], $0x1400  }
0x7a: {  	[sflag:s18] =	ssyncset.done $0x0  }
0x7b: {  	[sflag:s18] =	ssyncadd.s32 $0xFFFFEC00  }
0x7c: {  	[tilespmem:s17], [sflag:$0x1] =	stream.indirect.gather [hbm4b:s1+s21], $0x80, s26, s21, $0xb8;
	[tilespmem:$0x1E800] =	vst v63  }
0x7d: {  	_ = 	snop  }
0x7e: {  	[tilespmem:s22], [sflag:$0x2] =	stream.indirect.gather [hbm4b:s1+s21], $0x80, s21, s21, $0xb8;
	[tilespmem:$0x1E800] =	vst v63  }
0x7f: {  	_ =	swait.ge [sflag:s19], $0x4000  }
0x80: {  	[sflag:s19] =	ssyncset.done $0x0  }
0x81: {  	s29 =	simm.s32 $0x1400;
	[sflag:s19] =	ssyncadd.s32 $0xFFFFC000  }
0x82: {  	[spmem:s2] =	stream.indirect.scatter.add.f32 [tilespmem:s17], [sflag:$0x3], $0x80, s29, s21, $0xb8;
	[tilespmem:$0x1E800] =	vst v63  }
0x83: {  	_ =	swait.ge [sflag:s18], $0x4000  }
0x84: {  	[sflag:s18] =	ssyncset.done $0x0  }
0x85: {  	s30 =	simm.s32 $0x100;
	[sflag:s18] =	ssyncadd.s32 $0xFFFFC000  }
0x86: {  	[tilespmem:s17], [sflag:$0x1] =	stream.indirect.gather [hbm4b:s1+s21], $0x80, s30, s21, $0xb8;
	[tilespmem:$0x1E800] =	vst v63  }
0x87: {  	_ =	swait.ge [sflag:s20], $0x4000  }
0x88: {  	[sflag:s20] =	ssyncset.done $0x0  }
0x89: {  	s31 =	simm.s32 $0x1480;
	[sflag:s20] =	ssyncadd.s32 $0xFFFFC000  }
0x8a: {  	[spmem:s2] =	stream.indirect.scatter.add.f32 [tilespmem:s22], [sflag:$0x3], $0x80, s31, s21, $0xb8;
	[tilespmem:$0x1E800] =	vst v63  }
0x8b: {  	_ =	swait.ge [sflag:s18], $0x4000  }
0x8c: {  	[sflag:s18] =	ssyncset.done $0x0  }
0x8d: {  	s28 =	simm.s32 $0x180;
	s26 =	simm.s32 $0x400;
	[sflag:s18] =	ssyncadd.s32 $0xFFFFC000  }
.LBB2_6:
0x8e: {  	[tilespmem:s22], [sflag:$0x2] =	stream.indirect.gather [hbm4b:s1+s21], $0x80, s28, s21, $0xb8;
	[tilespmem:$0x1E800] =	vst v63  }
0x8f: {  	s28 =	smov.u32 s26  }
0x90: {  	p0 =	sne.s32 s26, $0x4800;
	s26 =	sadd.s32 $0x400, s26;
	_ =	swait.ge [sflag:s19], $0x4000  }
0x91: {  	s28 =	sshra.s32 s28, $0x2;
	[sflag:s19] =	ssyncset.done $0x0  }
0x92: {  	s29 =	sadd.s32 $0x1400, s28;
	[sflag:s19] =	ssyncadd.s32 $0xFFFFC000  }
0x93: {  	[spmem:s2] =	stream.indirect.scatter.add.f32 [tilespmem:s17], [sflag:$0x3], $0x80, s29, s21, $0xb8;
	[tilespmem:$0x1E800] =	vst v63  }
0x94: {  	_ =	swait.ge [sflag:s18], $0x4000  }
0x95: {  	[sflag:s18] =	ssyncset.done $0x0  }
0x96: {  	s29 =	sadd.s32 $0x100, s28;
	[sflag:s18] =	ssyncadd.s32 $0xFFFFC000  }
0x97: {  	[tilespmem:s17], [sflag:$0x1] =	stream.indirect.gather [hbm4b:s1+s21], $0x80, s29, s21, $0xb8;
	[tilespmem:$0x1E800] =	vst v63  }
0x98: {  	_ =	swait.ge [sflag:s20], $0x4000  }
0x99: {  	[sflag:s20] =	ssyncset.done $0x0  }
.Ltmp2:
0x9a: {  	s29 =	sadd.s32 $0x1480, s28;
	[sflag:s20] =	ssyncadd.s32 $0xFFFFC000;
	(pc) =	sbr.rel @p0 .LBB2_6-.Ltmp2, $4  }
0x9b: {  	[spmem:s2] =	stream.indirect.scatter.add.f32 [tilespmem:s22], [sflag:$0x3], $0x80, s29, s21, $0xb8;
	[tilespmem:$0x1E800] =	vst v63  }
0x9c: {  	_ =	swait.ge [sflag:s18], $0x4000  }
0x9d: {  	[sflag:s18] =	ssyncset.done $0x0  }
0x9e: {  	s28 =	sadd.s32 $0x180, s28;
	[sflag:s18] =	ssyncadd.s32 $0xFFFFC000  }
0x9f: {  	[tilespmem:s22], [sflag:$0x2] =	stream.indirect.gather [hbm4b:s1+s21], $0x80, s28, s21, $0xb8;
	[tilespmem:$0x1E800] =	vst v63  }
0xa0: {  	_ =	swait.ge [sflag:s19], $0x4000  }
0xa1: {  	[sflag:s19] =	ssyncset.done $0x0  }
0xa2: {  	[sflag:s19] =	ssyncadd.s32 $0xFFFFC000  }
0xa3: {  	[spmem:s2] =	stream.indirect.scatter.add.f32 [tilespmem:s17], [sflag:$0x3], $0x80, s23, s21, $0xb8;
	[tilespmem:$0x1E800] =	vst v63  }
0xa4: {  	_ =	swait.ge [sflag:s18], $0x4000  }
0xa5: {  	[sflag:s18] =	ssyncset.done $0x0  }
0xa6: {  	[sflag:s18] =	ssyncadd.s32 $0xFFFFC000  }
0xa7: {  	_ =	swait.ge [sflag:s20], $0x4000  }
0xa8: {  	[sflag:s20] =	ssyncset.done $0x0  }
0xa9: {  	[sflag:s20] =	ssyncadd.s32 $0xFFFFC000  }
0xaa: {  	[spmem:s2] =	stream.indirect.scatter.add.f32 [tilespmem:s22], [sflag:$0x3], $0x80, s24, s21, $0xb8;
	[tilespmem:$0x1E800] =	vst v63  }
0xab: {  	_ =	swait.ge [sflag:s18], $0x4000  }
0xac: {  	s26 =	sshll.u32 s3, $0x6;
	s25 =	sadd.s32 $0x1, s25;
	[sflag:s18] =	ssyncset.done $0x0  }
0xad: {  	s31 =	sshrl.u32 s5, $0x3;
	p0 =	sne.s32 s25, s15;
	[sflag:s18] =	ssyncadd.s32 $0xFFFFC000  }
.Ltmp3:
0xae: {  	s26 =	sor.u32 $0x1C03, s26;
	[bflag:$0x0] =	sbarrier.arrive $0xFFFF;
	(pc) =	sbr.rel @p0 .LBB2_1-.Ltmp3, $4  }
0xaf: {  	[hbm:s14], [sflag:s26] =	dma.local [spmem:s31], $0x2800  }
0xb0: {  	_ =	swait.ge [sflag:s18], $0x2800  }
0xb1: {  	[sflag:s18] =	ssyncset.done $0x0  }
0xb2: {  	[sflag:s18] =	ssyncadd.s32 $0xFFFFD800  }
0xb3: {  	_ =	sfence.sel $0x180000  }
0xb4: {  	[bflag:$0x0] =	sbarrier.arrive $0xFFFF  }
0xb5: {  	p0 =	sne.s32 s3, $0x0;
	_ =	strace $0x90000047  }
0xb6: {  	s0 =	sadd.s32 @!p0 $0x100000, s0;
	[bflag:$0x2] =	sbarrier.arrive $0xFFFF  }
0xb7: {  	[sflag:s0] =	ssyncadd.tile.s32 @!p0 $0x1;
	_ =	shalt  }
.Lfunc_end2:
_tile_overlayer_lowered:
.L_overlay_start_2:
0xb8: {  	(tag) =	ssettag $0x2  }
0xb9: {  	s0 =	rddreg [dreg:$0x0];
	s2 =	stileid.u32  }
0xba: {  	s1 =	rddreg [dreg:$0x1];
	p0 =	sne.s32 s2, $0x0  }
0xbb: {  	s3 =	rddreg [dreg:$0x2];
	[bflag:$0x3] =	sbarrier.arrive $0xFFFF;
	s2 =	simm.s32 @!p0 $0x1C03  }
0xbc: {  	[timem:s3], [sflag:s2] =	dma.local @!p0 [hbm:s0], s1  }
0xbd: {  	s0 =	simm.s32 @!p0 $0x3  }
0xbe: {  	_ =	swait.ge @!p0 [sflag:s0], s1  }
0xbf: {  	s1 =	ssub.s32 @!p0 $0x0, s1;
	[sflag:s0] =	ssyncset.done @!p0 $0x0  }
0xc0: {  	[sflag:s0] =	ssyncadd.s32 @!p0 s1  }
0xc1: {  	[bflag:$0x3] =	sbarrier.arrive $0xFFFF  }
0xc2: {  	_ =	shalt  }

</sc_bundles>
